<compile_context>
chip_gen: v7x
topology: tpu7x:2x2x1
jax: 0.10.2.dev20260603
libtpu: 0.0.44.dev20260713+nightly
codegen_flags: <defaults>
</compile_context>

<pallas_src>
import functools

import jax
import jax.numpy as jnp
from jax import lax
from jax.experimental import pallas as pl
from jax.experimental.pallas import tpu as pltpu
from jax.experimental.pallas import tpu_sc as plsc

_NW = 32
_CH = 80
_TB = 5120
_TP = 5
_NSLICE = 2
_NBUF = 4


def _sc_gather(word_emb, idx):
  nch = idx.shape[1]
  n = _NW * nch * _CH
  d = word_emb.shape[1]
  mesh = plsc.VectorSubcoreMesh(core_axis_name="c", subcore_axis_name="s")

  @functools.partial(
      pl.kernel, mesh=mesh,
      compiler_params=pltpu.CompilerParams(use_tc_tiling_on_sc=True),
      out_type=jax.ShapeDtypeStruct((n, d), jnp.float32),
      scratch_types=[
          pltpu.VMEM((nch, _CH), jnp.int32),
      ] + [pltpu.VMEM((_CH, d), jnp.float32) for _ in range(_NBUF)]
        + [pltpu.SemaphoreType.DMA for _ in range(2 * _NBUF)],
  )
  def k(table_hbm, idx_hbm, out_hbm, idx_v, *bufs_and_sems):
    rows = bufs_and_sems[:_NBUF]
    gsem = bufs_and_sems[_NBUF:2 * _NBUF]
    wsem = bufs_and_sems[2 * _NBUF:]
    wid = lax.axis_index("s") * 2 + lax.axis_index("c")
    pltpu.sync_copy(idx_hbm.at[wid], idx_v)
    base = wid * (nch * _CH)

    def fire_gather(c):
      return pltpu.async_copy(table_hbm.at[idx_v.at[c]], rows[c % _NBUF],
                              gsem[c % _NBUF])

    def fire_write(c):
      return pltpu.async_copy(rows[c % _NBUF],
                              out_hbm.at[pl.ds(base + c * _CH, _CH)],
                              wsem[c % _NBUF])

    gs = {}
    ws = {}
    for c in range(min(_NBUF - 1, nch)):
      gs[c] = fire_gather(c)
    for c in range(nch):
      nxt = c + _NBUF - 1
      if nxt < nch:
        if c - 1 >= 0:
          ws[c - 1].wait()
        gs[nxt] = fire_gather(nxt)
      gs[c].wait()
      ws[c] = fire_write(c)
    for c in range(max(0, nch - _NBUF), nch):
      ws[c].wait()

  return k(word_emb, idx)


def _tc_compute(word_ref, vc_ref, jc_ref, tbl_ref, pos_ref, type_ref, g_ref,
                b_ref, o_ref):
  x = word_ref[...]
  r = tbl_ref.shape[0]
  tb, d = x.shape
  bsz = tb // _TP
  iota = lax.broadcasted_iota(jnp.int32, (r, tb), 0)
  oh = ((vc_ref[0] == iota) | (jc_ref[0] == iota)).astype(jnp.float32)
  add = lax.dot_general(oh, tbl_ref[...], (((0,), (0,)), ((), ())),
                        preferred_element_type=jnp.float32)
  x = (x + add).reshape(_TP, bsz, d)
  x = x + (pos_ref[...] + type_ref[0:1, :][None])
  mean = jnp.mean(x, axis=2, keepdims=True)
  xc = x - mean
  var = jnp.mean(xc * xc, axis=2, keepdims=True)
  y = xc * lax.rsqrt(var + 1e-12)
  o_ref[...] = (y * g_ref[...][None] + b_ref[...][None]).reshape(tb, d)


def _tc_body_first(word_ref, vc_ref, jc_ref, tbl_ref, pos_ref, type_ref,
                   g_ref, b_ref, o_ref):
  _tc_compute(word_ref, vc_ref, jc_ref, tbl_ref, pos_ref, type_ref, g_ref,
              b_ref, o_ref)


def _tc_body_acc(acc_ref, word_ref, vc_ref, jc_ref, tbl_ref, pos_ref,
                 type_ref, g_ref, b_ref, o_ref):
  del acc_ref
  _tc_compute(word_ref, vc_ref, jc_ref, tbl_ref, pos_ref, type_ref, g_ref,
              b_ref, o_ref)


def _tc_post(word_rows, vc, jc, table, pos3, type_emb, gamma, beta,
             out_prev, off, n_total):
  ns, d = word_rows.shape
  nb_s = ns // _TB
  r = table.shape[0]
  in_specs = [
      pl.BlockSpec((_TB, d), lambda i: (i, 0)),
      pl.BlockSpec((1, 1, _TB), lambda i: (i, 0, 0)),
      pl.BlockSpec((1, 1, _TB), lambda i: (i, 0, 0)),
      pl.BlockSpec((r, d), lambda i: (0, 0)),
      pl.BlockSpec((_TP, 1, d), lambda i, off=off: (i + off, 0, 0)),
      pl.BlockSpec(type_emb.shape, lambda i: (0, 0)),
      pl.BlockSpec((1, d), lambda i: (0, 0)),
      pl.BlockSpec((1, d), lambda i: (0, 0)),
  ]
  args = [word_rows, vc, jc, table, pos3, type_emb, gamma, beta]
  kwargs = {}
  if out_prev is None:
    body = _tc_body_first
  else:
    body = _tc_body_acc
    in_specs = [pl.BlockSpec(memory_space=pl.ANY)] + in_specs
    args = [out_prev] + args
    kwargs["input_output_aliases"] = {0: 0}
  return pl.pallas_call(
      body,
      grid=(nb_s,),
      in_specs=in_specs,
      out_specs=pl.BlockSpec((_TB, d), lambda i, off=off: (i + off, 0)),
      out_shape=jax.ShapeDtypeStruct((n_total, d), jnp.float32),
      **kwargs,
  )(*args)


def kernel(input_ids, v_gene_ids, j_gene_ids, word_emb, pos_emb, type_emb,
           v_emb, j_emb, ln_gamma, ln_beta):
  b, l = input_ids.shape
  d = word_emb.shape[1]
  n = b * l
  nb = n // _TB
  nv = v_emb.shape[0]

  flat = input_ids.T.astype(jnp.int32).reshape(n)
  vc = v_gene_ids.T.astype(jnp.int32).reshape(nb, 1, _TB)
  jc = (j_gene_ids.T.astype(jnp.int32) + nv).reshape(nb, 1, _TB)
  table = jnp.concatenate([v_emb, j_emb], axis=0)
  pos3 = pos_emb[:l].reshape(l, 1, d)
  gamma = ln_gamma.reshape(1, d)
  beta = ln_beta.reshape(1, d)

  ns = n // _NSLICE
  nb_s = nb // _NSLICE
  out = None
  for s in range(_NSLICE):
    idx_s = lax.slice_in_dim(flat, s * ns, (s + 1) * ns).reshape(
        _NW, ns // (_NW * _CH), _CH)
    wr_s = _sc_gather(word_emb, idx_s)
    out = _tc_post(wr_s, vc[s * nb_s:(s + 1) * nb_s],
                   jc[s * nb_s:(s + 1) * nb_s], table, pos3, type_emb,
                   gamma, beta, out, s * nb_s, n)
  return out.reshape(l, b, d).transpose(1, 0, 2)

# --- scband reference (transcript-rebuilt; emitter-appended) ---
"""Pipeline reference for scband-albert-tcrembeddings-49658411876986 (READ-ONLY COPY).

The authoritative reference and input builder live on the scoring server;
editing this copy changes nothing except your own understanding.
"""

import jax, jax.numpy as jnp
import numpy as np

VOCAB = 100000
EMB = 128
MAXPOS = 512
TYPES = 2
B = 1024
L = 50
EPS = 1e-12


def setup_inputs(seed: int = 0) -> dict:
    key = jax.random.key(seed)
    ks = jax.random.split(key, 10)
    input_ids = jax.random.randint(ks[0], (B, L), 0, VOCAB)
    v_gene_ids = jax.random.randint(ks[1], (B, L), 0, 64)
    j_gene_ids = jax.random.randint(ks[2], (B, L), 0, 14)
    word_emb = jax.random.normal(ks[3], (VOCAB, EMB), dtype=jnp.float32) * 0.02
    # padding_idx=0 row is zero in torch nn.Embedding
    word_emb = word_emb.at[0].set(0.0)
    pos_emb = jax.random.normal(ks[4], (MAXPOS, EMB), dtype=jnp.float32) * 0.02
    type_emb = jax.random.normal(ks[5], (TYPES, EMB), dtype=jnp.float32) * 0.02
    v_emb = jax.random.normal(ks[6], (65, EMB), dtype=jnp.float32) * 0.02
    v_emb = v_emb.at[64].set(0.0)  # padding_idx=64
    j_emb = jax.random.normal(ks[7], (15, EMB), dtype=jnp.float32) * 0.02
    j_emb = j_emb.at[14].set(0.0)  # padding_idx=14
    ln_gamma = jnp.ones((EMB,), dtype=jnp.float32)
    ln_beta = jnp.zeros((EMB,), dtype=jnp.float32)
    return {
        "input_ids": input_ids,
        "v_gene_ids": v_gene_ids,
        "j_gene_ids": j_gene_ids,
        "word_emb": word_emb,
        "pos_emb": pos_emb,
        "type_emb": type_emb,
        "v_emb": v_emb,
        "j_emb": j_emb,
        "ln_gamma": ln_gamma,
        "ln_beta": ln_beta,
    }


def _layer_norm(x, gamma, beta):
    mean = jnp.mean(x, axis=-1, keepdims=True)
    var = jnp.mean((x - mean) ** 2, axis=-1, keepdims=True)
    xhat = (x - mean) / jnp.sqrt(var + EPS)
    return xhat * gamma + beta


def reference(input_ids, v_gene_ids, j_gene_ids, word_emb, pos_emb, type_emb,
              v_emb, j_emb, ln_gamma, ln_beta):
    seq_len = input_ids.shape[1]
    # position_ids = buffered arange, past_key_values_length = 0
    position_ids = jnp.arange(seq_len)
    # token_type_ids default to zeros (buffered)
    token_type_ids = jnp.zeros_like(input_ids)
    inputs_embeds = jnp.take(word_emb, input_ids, axis=0)
    token_type_embeddings = jnp.take(type_emb, token_type_ids, axis=0)
    v_gene_embeddings = jnp.take(v_emb, v_gene_ids, axis=0)
    j_gene_embeddings = jnp.take(j_emb, j_gene_ids, axis=0)
    embeddings = inputs_embeds + v_gene_embeddings + j_gene_embeddings + token_type_embeddings
    # absolute position embeddings
    position_embeddings = jnp.take(pos_emb, position_ids, axis=0)[None, :, :]
    embeddings = embeddings + position_embeddings
    embeddings = _layer_norm(embeddings, ln_gamma, ln_beta)
    # dropout is identity in eval mode (p effectively 0)
    return embeddings

if __name__ == "__main__":
    import jax
    _d = setup_inputs()
    print(jax.jit(kernel)(*tuple(_d.values())))

</pallas_src>

<mosaic_0001>
#map = affine_map<(d0, d1) -> (0, 0)>
#map1 = affine_map<(d0, d1) -> (0, 0, 0)>
module attributes {stable_mosaic.version = 14 : i64} {
  func.func @k(%arg0: i32, %arg1: i32, %arg2: memref<100000x128xf32, #tpu.memory_space<hbm>>, %arg3: memref<32x10x80xi32, #tpu.memory_space<hbm>>, %arg4: memref<25600x128xf32, #tpu.memory_space<hbm>>, %arg5: memref<10x80xi32, #tpu.memory_space<vmem>>, %arg6: memref<80x128xf32, #tpu.memory_space<vmem>>, %arg7: memref<80x128xf32, #tpu.memory_space<vmem>>, %arg8: memref<80x128xf32, #tpu.memory_space<vmem>>, %arg9: memref<80x128xf32, #tpu.memory_space<vmem>>, %arg10: memref<!tpu.dma_semaphore, #tpu.memory_space<semaphore_mem>>, %arg11: memref<!tpu.dma_semaphore, #tpu.memory_space<semaphore_mem>>, %arg12: memref<!tpu.dma_semaphore, #tpu.memory_space<semaphore_mem>>, %arg13: memref<!tpu.dma_semaphore, #tpu.memory_space<semaphore_mem>>, %arg14: memref<!tpu.dma_semaphore, #tpu.memory_space<semaphore_mem>>, %arg15: memref<!tpu.dma_semaphore, #tpu.memory_space<semaphore_mem>>, %arg16: memref<!tpu.dma_semaphore, #tpu.memory_space<semaphore_mem>>, %arg17: memref<!tpu.dma_semaphore, #tpu.memory_space<semaphore_mem>>) attributes {dimension_semantics = [#tpu.dimension_semantics<core_parallel>, #tpu.dimension_semantics<subcore_parallel>], iteration_bounds = array<i64: 2, 16>, scalar_prefetch = 0 : i64, scratch_operands = 13 : i64, tpu.core_type = #tpu.core_type<sc_vector_subcore>, window_params = [{transform_indices = #map}, {transform_indices = #map1}, {transform_indices = #map}]} {
    %mul3A = arith.constant 2 : i32
    %mul3A_0 = arith.muli %arg1, %mul3A : i32
    %add3A = arith.addi %mul3A_0, %arg0 : i32
    "tpu.region"() ({
      %run_scoped3A = tpu.sem_alloc : memref<!tpu.dma_semaphore, #tpu.memory_space<semaphore_mem>>
      %dma_start3A_241 = arith.constant 0 : i32
      %dma_start3A_242 = arith.constant 0 : i32
      %dma_start3A_243 = tpu.memref_slice %arg3[%add3A, %dma_start3A_241, %dma_start3A_242] : memref<32x10x80xi32, #tpu.memory_space<hbm>> -> memref<1x10x80xi32, #tpu.memory_space<hbm>>
      %dma_start3A_244 = tpu.memref_squeeze %dma_start3A_243 : memref<1x10x80xi32, #tpu.memory_space<hbm>> -> memref<10x80xi32, #tpu.memory_space<hbm>>
      %dma_start3A_245 = arith.constant 0 : i32
      %dma_start3A_246 = arith.constant 0 : i32
      %dma_start3A_247 = tpu.memref_slice %arg3[%add3A, %dma_start3A_245, %dma_start3A_246] : memref<32x10x80xi32, #tpu.memory_space<hbm>> -> memref<1x10x80xi32, #tpu.memory_space<hbm>>
      %dma_start3A_248 = tpu.memref_squeeze %dma_start3A_247 : memref<1x10x80xi32, #tpu.memory_space<hbm>> -> memref<10x80xi32, #tpu.memory_space<hbm>>
      tpu.enqueue_dma source(%dma_start3A_248 : memref<10x80xi32, #tpu.memory_space<hbm>>) target(%arg5 : memref<10x80xi32, #tpu.memory_space<vmem>>) target_semaphore(%run_scoped3A : memref<!tpu.dma_semaphore, #tpu.memory_space<semaphore_mem>>)
      %dma_wait3A_249 = arith.constant 0 : i32
      %dma_wait3A_250 = arith.constant 0 : i32
      %dma_wait3A_251 = tpu.memref_slice %arg3[%add3A, %dma_wait3A_249, %dma_wait3A_250] : memref<32x10x80xi32, #tpu.memory_space<hbm>> -> memref<1x10x80xi32, #tpu.memory_space<hbm>>
      %dma_wait3A_252 = tpu.memref_squeeze %dma_wait3A_251 : memref<1x10x80xi32, #tpu.memory_space<hbm>> -> memref<10x80xi32, #tpu.memory_space<hbm>>
      %dma_wait3A_253 = arith.constant 0 : i32
      %dma_wait3A_254 = arith.constant 0 : i32
      %dma_wait3A_255 = tpu.memref_slice %arg3[%add3A, %dma_wait3A_253, %dma_wait3A_254] : memref<32x10x80xi32, #tpu.memory_space<hbm>> -> memref<1x10x80xi32, #tpu.memory_space<hbm>>
      %dma_wait3A_256 = tpu.memref_squeeze %dma_wait3A_255 : memref<1x10x80xi32, #tpu.memory_space<hbm>> -> memref<10x80xi32, #tpu.memory_space<hbm>>
      tpu.wait_dma2 semaphore(%run_scoped3A : memref<!tpu.dma_semaphore, #tpu.memory_space<semaphore_mem>>) src(%dma_wait3A_256 : memref<10x80xi32, #tpu.memory_space<hbm>>) dst(%arg5 : memref<10x80xi32, #tpu.memory_space<vmem>>)
      tpu.yield
    }) : () -> ()
    %mul3A_1 = arith.constant 800 : i32
    %mul3A_2 = arith.muli %add3A, %mul3A_1 : i32
    %dma_start3A = arith.constant 0 : i32
    %dma_start3A_3 = arith.constant 0 : i32
    %dma_start3A_4 = tpu.memref_slice %arg5[%dma_start3A, %dma_start3A_3] : memref<10x80xi32, #tpu.memory_space<vmem>> -> memref<1x80xi32, #tpu.memory_space<vmem>>
    %dma_start3A_5 = tpu.memref_squeeze %dma_start3A_4 : memref<1x80xi32, #tpu.memory_space<vmem>> -> memref<80xi32, #tpu.memory_space<vmem>>
    %dma_start3A_6 = arith.constant 0 : i32
    %dma_start3A_7 = arith.constant 0 : i32
    %dma_start3A_8 = tpu.memref_slice %arg2[%dma_start3A_6, %dma_start3A_7] : memref<100000x128xf32, #tpu.memory_space<hbm>> -> memref<100000x128xf32, #tpu.memory_space<hbm>>
    tpu.enqueue_indirect_dma source(%dma_start3A_8 : memref<100000x128xf32, #tpu.memory_space<hbm>>) target(%arg6 : memref<80x128xf32, #tpu.memory_space<vmem>>) offsets(%dma_start3A_5 : memref<80xi32, #tpu.memory_space<vmem>>) semaphore(%arg10 : memref<!tpu.dma_semaphore, #tpu.memory_space<semaphore_mem>>)
    %dma_start3A_9 = arith.constant 1 : i32
    %dma_start3A_10 = arith.constant 0 : i32
    %dma_start3A_11 = tpu.memref_slice %arg5[%dma_start3A_9, %dma_start3A_10] : memref<10x80xi32, #tpu.memory_space<vmem>> -> memref<1x80xi32, #tpu.memory_space<vmem>>
    %dma_start3A_12 = tpu.memref_squeeze %dma_start3A_11 : memref<1x80xi32, #tpu.memory_space<vmem>> -> memref<80xi32, #tpu.memory_space<vmem>>
    %dma_start3A_13 = arith.constant 0 : i32
    %dma_start3A_14 = arith.constant 0 : i32
    %dma_start3A_15 = tpu.memref_slice %arg2[%dma_start3A_13, %dma_start3A_14] : memref<100000x128xf32, #tpu.memory_space<hbm>> -> memref<100000x128xf32, #tpu.memory_space<hbm>>
    tpu.enqueue_indirect_dma source(%dma_start3A_15 : memref<100000x128xf32, #tpu.memory_space<hbm>>) target(%arg7 : memref<80x128xf32, #tpu.memory_space<vmem>>) offsets(%dma_start3A_12 : memref<80xi32, #tpu.memory_space<vmem>>) semaphore(%arg11 : memref<!tpu.dma_semaphore, #tpu.memory_space<semaphore_mem>>)
    %dma_start3A_16 = arith.constant 2 : i32
    %dma_start3A_17 = arith.constant 0 : i32
    %dma_start3A_18 = tpu.memref_slice %arg5[%dma_start3A_16, %dma_start3A_17] : memref<10x80xi32, #tpu.memory_space<vmem>> -> memref<1x80xi32, #tpu.memory_space<vmem>>
    %dma_start3A_19 = tpu.memref_squeeze %dma_start3A_18 : memref<1x80xi32, #tpu.memory_space<vmem>> -> memref<80xi32, #tpu.memory_space<vmem>>
    %dma_start3A_20 = arith.constant 0 : i32
    %dma_start3A_21 = arith.constant 0 : i32
    %dma_start3A_22 = tpu.memref_slice %arg2[%dma_start3A_20, %dma_start3A_21] : memref<100000x128xf32, #tpu.memory_space<hbm>> -> memref<100000x128xf32, #tpu.memory_space<hbm>>
    tpu.enqueue_indirect_dma source(%dma_start3A_22 : memref<100000x128xf32, #tpu.memory_space<hbm>>) target(%arg8 : memref<80x128xf32, #tpu.memory_space<vmem>>) offsets(%dma_start3A_19 : memref<80xi32, #tpu.memory_space<vmem>>) semaphore(%arg12 : memref<!tpu.dma_semaphore, #tpu.memory_space<semaphore_mem>>)
    %dma_start3A_23 = arith.constant 3 : i32
    %dma_start3A_24 = arith.constant 0 : i32
    %dma_start3A_25 = tpu.memref_slice %arg5[%dma_start3A_23, %dma_start3A_24] : memref<10x80xi32, #tpu.memory_space<vmem>> -> memref<1x80xi32, #tpu.memory_space<vmem>>
    %dma_start3A_26 = tpu.memref_squeeze %dma_start3A_25 : memref<1x80xi32, #tpu.memory_space<vmem>> -> memref<80xi32, #tpu.memory_space<vmem>>
    %dma_start3A_27 = arith.constant 0 : i32
    %dma_start3A_28 = arith.constant 0 : i32
    %dma_start3A_29 = tpu.memref_slice %arg2[%dma_start3A_27, %dma_start3A_28] : memref<100000x128xf32, #tpu.memory_space<hbm>> -> memref<100000x128xf32, #tpu.memory_space<hbm>>
    tpu.enqueue_indirect_dma source(%dma_start3A_29 : memref<100000x128xf32, #tpu.memory_space<hbm>>) target(%arg9 : memref<80x128xf32, #tpu.memory_space<vmem>>) offsets(%dma_start3A_26 : memref<80xi32, #tpu.memory_space<vmem>>) semaphore(%arg13 : memref<!tpu.dma_semaphore, #tpu.memory_space<semaphore_mem>>)
    %dma_wait3A = arith.constant 0 : i32
    %dma_wait3A_30 = arith.constant 0 : i32
    %dma_wait3A_31 = tpu.memref_slice %arg5[%dma_wait3A, %dma_wait3A_30] : memref<10x80xi32, #tpu.memory_space<vmem>> -> memref<1x80xi32, #tpu.memory_space<vmem>>
    %dma_wait3A_32 = tpu.memref_squeeze %dma_wait3A_31 : memref<1x80xi32, #tpu.memory_space<vmem>> -> memref<80xi32, #tpu.memory_space<vmem>>
    %dma_wait3A_33 = arith.constant 0 : i32
    %dma_wait3A_34 = arith.constant 0 : i32
    %dma_wait3A_35 = tpu.memref_slice %arg2[%dma_wait3A_33, %dma_wait3A_34] : memref<100000x128xf32, #tpu.memory_space<hbm>> -> memref<100000x128xf32, #tpu.memory_space<hbm>>
    tpu.wait_indirect_dma semaphore(%arg10 : memref<!tpu.dma_semaphore, #tpu.memory_space<semaphore_mem>>) src(%dma_wait3A_35 : memref<100000x128xf32, #tpu.memory_space<hbm>>) dst(%arg6 : memref<80x128xf32, #tpu.memory_space<vmem>>)
    %add3A_36 = arith.constant 0 : i32
    %add3A_37 = arith.addi %mul3A_2, %add3A_36 : i32
    %dma_start3A_38 = arith.constant 0 : i32
    %dma_start3A_39 = tpu.memref_slice %arg4[%add3A_37, %dma_start3A_38] : memref<25600x128xf32, #tpu.memory_space<hbm>> -> memref<80x128xf32, #tpu.memory_space<hbm>>
    %dma_start3A_40 = arith.constant 0 : i32
    %dma_start3A_41 = tpu.memref_slice %arg4[%add3A_37, %dma_start3A_40] : memref<25600x128xf32, #tpu.memory_space<hbm>> -> memref<80x128xf32, #tpu.memory_space<hbm>>
    tpu.enqueue_dma source(%arg6 : memref<80x128xf32, #tpu.memory_space<vmem>>) target(%dma_start3A_41 : memref<80x128xf32, #tpu.memory_space<hbm>>) target_semaphore(%arg14 : memref<!tpu.dma_semaphore, #tpu.memory_space<semaphore_mem>>)
    %dma_wait3A_42 = arith.constant 0 : i32
    %dma_wait3A_43 = tpu.memref_slice %arg4[%add3A_37, %dma_wait3A_42] : memref<25600x128xf32, #tpu.memory_space<hbm>> -> memref<80x128xf32, #tpu.memory_space<hbm>>
    %dma_wait3A_44 = arith.constant 0 : i32
    %dma_wait3A_45 = tpu.memref_slice %arg4[%add3A_37, %dma_wait3A_44] : memref<25600x128xf32, #tpu.memory_space<hbm>> -> memref<80x128xf32, #tpu.memory_space<hbm>>
    tpu.wait_dma2 semaphore(%arg14 : memref<!tpu.dma_semaphore, #tpu.memory_space<semaphore_mem>>) src(%arg6 : memref<80x128xf32, #tpu.memory_space<vmem>>) dst(%dma_wait3A_45 : memref<80x128xf32, #tpu.memory_space<hbm>>)
    %dma_start3A_46 = arith.constant 4 : i32
    %dma_start3A_47 = arith.constant 0 : i32
    %dma_start3A_48 = tpu.memref_slice %arg5[%dma_start3A_46, %dma_start3A_47] : memref<10x80xi32, #tpu.memory_space<vmem>> -> memref<1x80xi32, #tpu.memory_space<vmem>>
    %dma_start3A_49 = tpu.memref_squeeze %dma_start3A_48 : memref<1x80xi32, #tpu.memory_space<vmem>> -> memref<80xi32, #tpu.memory_space<vmem>>
    %dma_start3A_50 = arith.constant 0 : i32
    %dma_start3A_51 = arith.constant 0 : i32
    %dma_start3A_52 = tpu.memref_slice %arg2[%dma_start3A_50, %dma_start3A_51] : memref<100000x128xf32, #tpu.memory_space<hbm>> -> memref<100000x128xf32, #tpu.memory_space<hbm>>
    tpu.enqueue_indirect_dma source(%dma_start3A_52 : memref<100000x128xf32, #tpu.memory_space<hbm>>) target(%arg6 : memref<80x128xf32, #tpu.memory_space<vmem>>) offsets(%dma_start3A_49 : memref<80xi32, #tpu.memory_space<vmem>>) semaphore(%arg10 : memref<!tpu.dma_semaphore, #tpu.memory_space<semaphore_mem>>)
    %dma_wait3A_53 = arith.constant 1 : i32
    %dma_wait3A_54 = arith.constant 0 : i32
    %dma_wait3A_55 = tpu.memref_slice %arg5[%dma_wait3A_53, %dma_wait3A_54] : memref<10x80xi32, #tpu.memory_space<vmem>> -> memref<1x80xi32, #tpu.memory_space<vmem>>
    %dma_wait3A_56 = tpu.memref_squeeze %dma_wait3A_55 : memref<1x80xi32, #tpu.memory_space<vmem>> -> memref<80xi32, #tpu.memory_space<vmem>>
    %dma_wait3A_57 = arith.constant 0 : i32
    %dma_wait3A_58 = arith.constant 0 : i32
    %dma_wait3A_59 = tpu.memref_slice %arg2[%dma_wait3A_57, %dma_wait3A_58] : memref<100000x128xf32, #tpu.memory_space<hbm>> -> memref<100000x128xf32, #tpu.memory_space<hbm>>
    tpu.wait_indirect_dma semaphore(%arg11 : memref<!tpu.dma_semaphore, #tpu.memory_space<semaphore_mem>>) src(%dma_wait3A_59 : memref<100000x128xf32, #tpu.memory_space<hbm>>) dst(%arg7 : memref<80x128xf32, #tpu.memory_space<vmem>>)
    %add3A_60 = arith.constant 80 : i32
    %add3A_61 = arith.addi %mul3A_2, %add3A_60 : i32
    %dma_start3A_62 = arith.constant 0 : i32
    %dma_start3A_63 = tpu.memref_slice %arg4[%add3A_61, %dma_start3A_62] : memref<25600x128xf32, #tpu.memory_space<hbm>> -> memref<80x128xf32, #tpu.memory_space<hbm>>
    %dma_start3A_64 = arith.constant 0 : i32
    %dma_start3A_65 = tpu.memref_slice %arg4[%add3A_61, %dma_start3A_64] : memref<25600x128xf32, #tpu.memory_space<hbm>> -> memref<80x128xf32, #tpu.memory_space<hbm>>
    tpu.enqueue_dma source(%arg7 : memref<80x128xf32, #tpu.memory_space<vmem>>) target(%dma_start3A_65 : memref<80x128xf32, #tpu.memory_space<hbm>>) target_semaphore(%arg15 : memref<!tpu.dma_semaphore, #tpu.memory_space<semaphore_mem>>)
    %dma_wait3A_66 = arith.constant 0 : i32
    %dma_wait3A_67 = tpu.memref_slice %arg4[%add3A_61, %dma_wait3A_66] : memref<25600x128xf32, #tpu.memory_space<hbm>> -> memref<80x128xf32, #tpu.memory_space<hbm>>
    %dma_wait3A_68 = arith.constant 0 : i32
    %dma_wait3A_69 = tpu.memref_slice %arg4[%add3A_61, %dma_wait3A_68] : memref<25600x128xf32, #tpu.memory_space<hbm>> -> memref<80x128xf32, #tpu.memory_space<hbm>>
    tpu.wait_dma2 semaphore(%arg15 : memref<!tpu.dma_semaphore, #tpu.memory_space<semaphore_mem>>) src(%arg7 : memref<80x128xf32, #tpu.memory_space<vmem>>) dst(%dma_wait3A_69 : memref<80x128xf32, #tpu.memory_space<hbm>>)
    %dma_start3A_70 = arith.constant 5 : i32
    %dma_start3A_71 = arith.constant 0 : i32
    %dma_start3A_72 = tpu.memref_slice %arg5[%dma_start3A_70, %dma_start3A_71] : memref<10x80xi32, #tpu.memory_space<vmem>> -> memref<1x80xi32, #tpu.memory_space<vmem>>
    %dma_start3A_73 = tpu.memref_squeeze %dma_start3A_72 : memref<1x80xi32, #tpu.memory_space<vmem>> -> memref<80xi32, #tpu.memory_space<vmem>>
    %dma_start3A_74 = arith.constant 0 : i32
    %dma_start3A_75 = arith.constant 0 : i32
    %dma_start3A_76 = tpu.memref_slice %arg2[%dma_start3A_74, %dma_start3A_75] : memref<100000x128xf32, #tpu.memory_space<hbm>> -> memref<100000x128xf32, #tpu.memory_space<hbm>>
    tpu.enqueue_indirect_dma source(%dma_start3A_76 : memref<100000x128xf32, #tpu.memory_space<hbm>>) target(%arg7 : memref<80x128xf32, #tpu.memory_space<vmem>>) offsets(%dma_start3A_73 : memref<80xi32, #tpu.memory_space<vmem>>) semaphore(%arg11 : memref<!tpu.dma_semaphore, #tpu.memory_space<semaphore_mem>>)
    %dma_wait3A_77 = arith.constant 2 : i32
    %dma_wait3A_78 = arith.constant 0 : i32
    %dma_wait3A_79 = tpu.memref_slice %arg5[%dma_wait3A_77, %dma_wait3A_78] : memref<10x80xi32, #tpu.memory_space<vmem>> -> memref<1x80xi32, #tpu.memory_space<vmem>>
    %dma_wait3A_80 = tpu.memref_squeeze %dma_wait3A_79 : memref<1x80xi32, #tpu.memory_space<vmem>> -> memref<80xi32, #tpu.memory_space<vmem>>
    %dma_wait3A_81 = arith.constant 0 : i32
    %dma_wait3A_82 = arith.constant 0 : i32
    %dma_wait3A_83 = tpu.memref_slice %arg2[%dma_wait3A_81, %dma_wait3A_82] : memref<100000x128xf32, #tpu.memory_space<hbm>> -> memref<100000x128xf32, #tpu.memory_space<hbm>>
    tpu.wait_indirect_dma semaphore(%arg12 : memref<!tpu.dma_semaphore, #tpu.memory_space<semaphore_mem>>) src(%dma_wait3A_83 : memref<100000x128xf32, #tpu.memory_space<hbm>>) dst(%arg8 : memref<80x128xf32, #tpu.memory_space<vmem>>)
    %add3A_84 = arith.constant 160 : i32
    %add3A_85 = arith.addi %mul3A_2, %add3A_84 : i32
    %dma_start3A_86 = arith.constant 0 : i32
    %dma_start3A_87 = tpu.memref_slice %arg4[%add3A_85, %dma_start3A_86] : memref<25600x128xf32, #tpu.memory_space<hbm>> -> memref<80x128xf32, #tpu.memory_space<hbm>>
    %dma_start3A_88 = arith.constant 0 : i32
    %dma_start3A_89 = tpu.memref_slice %arg4[%add3A_85, %dma_start3A_88] : memref<25600x128xf32, #tpu.memory_space<hbm>> -> memref<80x128xf32, #tpu.memory_space<hbm>>
    tpu.enqueue_dma source(%arg8 : memref<80x128xf32, #tpu.memory_space<vmem>>) target(%dma_start3A_89 : memref<80x128xf32, #tpu.memory_space<hbm>>) target_semaphore(%arg16 : memref<!tpu.dma_semaphore, #tpu.memory_space<semaphore_mem>>)
    %dma_wait3A_90 = arith.constant 0 : i32
    %dma_wait3A_91 = tpu.memref_slice %arg4[%add3A_85, %dma_wait3A_90] : memref<25600x128xf32, #tpu.memory_space<hbm>> -> memref<80x128xf32, #tpu.memory_space<hbm>>
    %dma_wait3A_92 = arith.constant 0 : i32
    %dma_wait3A_93 = tpu.memref_slice %arg4[%add3A_85, %dma_wait3A_92] : memref<25600x128xf32, #tpu.memory_space<hbm>> -> memref<80x128xf32, #tpu.memory_space<hbm>>
    tpu.wait_dma2 semaphore(%arg16 : memref<!tpu.dma_semaphore, #tpu.memory_space<semaphore_mem>>) src(%arg8 : memref<80x128xf32, #tpu.memory_space<vmem>>) dst(%dma_wait3A_93 : memref<80x128xf32, #tpu.memory_space<hbm>>)
    %dma_start3A_94 = arith.constant 6 : i32
    %dma_start3A_95 = arith.constant 0 : i32
    %dma_start3A_96 = tpu.memref_slice %arg5[%dma_start3A_94, %dma_start3A_95] : memref<10x80xi32, #tpu.memory_space<vmem>> -> memref<1x80xi32, #tpu.memory_space<vmem>>
    %dma_start3A_97 = tpu.memref_squeeze %dma_start3A_96 : memref<1x80xi32, #tpu.memory_space<vmem>> -> memref<80xi32, #tpu.memory_space<vmem>>
    %dma_start3A_98 = arith.constant 0 : i32
    %dma_start3A_99 = arith.constant 0 : i32
    %dma_start3A_100 = tpu.memref_slice %arg2[%dma_start3A_98, %dma_start3A_99] : memref<100000x128xf32, #tpu.memory_space<hbm>> -> memref<100000x128xf32, #tpu.memory_space<hbm>>
    tpu.enqueue_indirect_dma source(%dma_start3A_100 : memref<100000x128xf32, #tpu.memory_space<hbm>>) target(%arg8 : memref<80x128xf32, #tpu.memory_space<vmem>>) offsets(%dma_start3A_97 : memref<80xi32, #tpu.memory_space<vmem>>) semaphore(%arg12 : memref<!tpu.dma_semaphore, #tpu.memory_space<semaphore_mem>>)
    %dma_wait3A_101 = arith.constant 3 : i32
    %dma_wait3A_102 = arith.constant 0 : i32
    %dma_wait3A_103 = tpu.memref_slice %arg5[%dma_wait3A_101, %dma_wait3A_102] : memref<10x80xi32, #tpu.memory_space<vmem>> -> memref<1x80xi32, #tpu.memory_space<vmem>>
    %dma_wait3A_104 = tpu.memref_squeeze %dma_wait3A_103 : memref<1x80xi32, #tpu.memory_space<vmem>> -> memref<80xi32, #tpu.memory_space<vmem>>
    %dma_wait3A_105 = arith.constant 0 : i32
    %dma_wait3A_106 = arith.constant 0 : i32
    %dma_wait3A_107 = tpu.memref_slice %arg2[%dma_wait3A_105, %dma_wait3A_106] : memref<100000x128xf32, #tpu.memory_space<hbm>> -> memref<100000x128xf32, #tpu.memory_space<hbm>>
    tpu.wait_indirect_dma semaphore(%arg13 : memref<!tpu.dma_semaphore, #tpu.memory_space<semaphore_mem>>) src(%dma_wait3A_107 : memref<100000x128xf32, #tpu.memory_space<hbm>>) dst(%arg9 : memref<80x128xf32, #tpu.memory_space<vmem>>)
    %add3A_108 = arith.constant 240 : i32
    %add3A_109 = arith.addi %mul3A_2, %add3A_108 : i32
    %dma_start3A_110 = arith.constant 0 : i32
    %dma_start3A_111 = tpu.memref_slice %arg4[%add3A_109, %dma_start3A_110] : memref<25600x128xf32, #tpu.memory_space<hbm>> -> memref<80x128xf32, #tpu.memory_space<hbm>>
    %dma_start3A_112 = arith.constant 0 : i32
    %dma_start3A_113 = tpu.memref_slice %arg4[%add3A_109, %dma_start3A_112] : memref<25600x128xf32, #tpu.memory_space<hbm>> -> memref<80x128xf32, #tpu.memory_space<hbm>>
    tpu.enqueue_dma source(%arg9 : memref<80x128xf32, #tpu.memory_space<vmem>>) target(%dma_start3A_113 : memref<80x128xf32, #tpu.memory_space<hbm>>) target_semaphore(%arg17 : memref<!tpu.dma_semaphore, #tpu.memory_space<semaphore_mem>>)
    %dma_wait3A_114 = arith.constant 0 : i32
    %dma_wait3A_115 = tpu.memref_slice %arg4[%add3A_109, %dma_wait3A_114] : memref<25600x128xf32, #tpu.memory_space<hbm>> -> memref<80x128xf32, #tpu.memory_space<hbm>>
    %dma_wait3A_116 = arith.constant 0 : i32
    %dma_wait3A_117 = tpu.memref_slice %arg4[%add3A_109, %dma_wait3A_116] : memref<25600x128xf32, #tpu.memory_space<hbm>> -> memref<80x128xf32, #tpu.memory_space<hbm>>
    tpu.wait_dma2 semaphore(%arg17 : memref<!tpu.dma_semaphore, #tpu.memory_space<semaphore_mem>>) src(%arg9 : memref<80x128xf32, #tpu.memory_space<vmem>>) dst(%dma_wait3A_117 : memref<80x128xf32, #tpu.memory_space<hbm>>)
    %dma_start3A_118 = arith.constant 7 : i32
    %dma_start3A_119 = arith.constant 0 : i32
    %dma_start3A_120 = tpu.memref_slice %arg5[%dma_start3A_118, %dma_start3A_119] : memref<10x80xi32, #tpu.memory_space<vmem>> -> memref<1x80xi32, #tpu.memory_space<vmem>>
    %dma_start3A_121 = tpu.memref_squeeze %dma_start3A_120 : memref<1x80xi32, #tpu.memory_space<vmem>> -> memref<80xi32, #tpu.memory_space<vmem>>
    %dma_start3A_122 = arith.constant 0 : i32
    %dma_start3A_123 = arith.constant 0 : i32
    %dma_start3A_124 = tpu.memref_slice %arg2[%dma_start3A_122, %dma_start3A_123] : memref<100000x128xf32, #tpu.memory_space<hbm>> -> memref<100000x128xf32, #tpu.memory_space<hbm>>
    tpu.enqueue_indirect_dma source(%dma_start3A_124 : memref<100000x128xf32, #tpu.memory_space<hbm>>) target(%arg9 : memref<80x128xf32, #tpu.memory_space<vmem>>) offsets(%dma_start3A_121 : memref<80xi32, #tpu.memory_space<vmem>>) semaphore(%arg13 : memref<!tpu.dma_semaphore, #tpu.memory_space<semaphore_mem>>)
    %dma_wait3A_125 = arith.constant 4 : i32
    %dma_wait3A_126 = arith.constant 0 : i32
    %dma_wait3A_127 = tpu.memref_slice %arg5[%dma_wait3A_125, %dma_wait3A_126] : memref<10x80xi32, #tpu.memory_space<vmem>> -> memref<1x80xi32, #tpu.memory_space<vmem>>
    %dma_wait3A_128 = tpu.memref_squeeze %dma_wait3A_127 : memref<1x80xi32, #tpu.memory_space<vmem>> -> memref<80xi32, #tpu.memory_space<vmem>>
    %dma_wait3A_129 = arith.constant 0 : i32
    %dma_wait3A_130 = arith.constant 0 : i32
    %dma_wait3A_131 = tpu.memref_slice %arg2[%dma_wait3A_129, %dma_wait3A_130] : memref<100000x128xf32, #tpu.memory_space<hbm>> -> memref<100000x128xf32, #tpu.memory_space<hbm>>
    tpu.wait_indirect_dma semaphore(%arg10 : memref<!tpu.dma_semaphore, #tpu.memory_space<semaphore_mem>>) src(%dma_wait3A_131 : memref<100000x128xf32, #tpu.memory_space<hbm>>) dst(%arg6 : memref<80x128xf32, #tpu.memory_space<vmem>>)
    %add3A_132 = arith.constant 320 : i32
    %add3A_133 = arith.addi %mul3A_2, %add3A_132 : i32
    %dma_start3A_134 = arith.constant 0 : i32
    %dma_start3A_135 = tpu.memref_slice %arg4[%add3A_133, %dma_start3A_134] : memref<25600x128xf32, #tpu.memory_space<hbm>> -> memref<80x128xf32, #tpu.memory_space<hbm>>
    %dma_start3A_136 = arith.constant 0 : i32
    %dma_start3A_137 = tpu.memref_slice %arg4[%add3A_133, %dma_start3A_136] : memref<25600x128xf32, #tpu.memory_space<hbm>> -> memref<80x128xf32, #tpu.memory_space<hbm>>
    tpu.enqueue_dma source(%arg6 : memref<80x128xf32, #tpu.memory_space<vmem>>) target(%dma_start3A_137 : memref<80x128xf32, #tpu.memory_space<hbm>>) target_semaphore(%arg14 : memref<!tpu.dma_semaphore, #tpu.memory_space<semaphore_mem>>)
    %dma_wait3A_138 = arith.constant 0 : i32
    %dma_wait3A_139 = tpu.memref_slice %arg4[%add3A_133, %dma_wait3A_138] : memref<25600x128xf32, #tpu.memory_space<hbm>> -> memref<80x128xf32, #tpu.memory_space<hbm>>
    %dma_wait3A_140 = arith.constant 0 : i32
    %dma_wait3A_141 = tpu.memref_slice %arg4[%add3A_133, %dma_wait3A_140] : memref<25600x128xf32, #tpu.memory_space<hbm>> -> memref<80x128xf32, #tpu.memory_space<hbm>>
    tpu.wait_dma2 semaphore(%arg14 : memref<!tpu.dma_semaphore, #tpu.memory_space<semaphore_mem>>) src(%arg6 : memref<80x128xf32, #tpu.memory_space<vmem>>) dst(%dma_wait3A_141 : memref<80x128xf32, #tpu.memory_space<hbm>>)
    %dma_start3A_142 = arith.constant 8 : i32
    %dma_start3A_143 = arith.constant 0 : i32
    %dma_start3A_144 = tpu.memref_slice %arg5[%dma_start3A_142, %dma_start3A_143] : memref<10x80xi32, #tpu.memory_space<vmem>> -> memref<1x80xi32, #tpu.memory_space<vmem>>
    %dma_start3A_145 = tpu.memref_squeeze %dma_start3A_144 : memref<1x80xi32, #tpu.memory_space<vmem>> -> memref<80xi32, #tpu.memory_space<vmem>>
    %dma_start3A_146 = arith.constant 0 : i32
    %dma_start3A_147 = arith.constant 0 : i32
    %dma_start3A_148 = tpu.memref_slice %arg2[%dma_start3A_146, %dma_start3A_147] : memref<100000x128xf32, #tpu.memory_space<hbm>> -> memref<100000x128xf32, #tpu.memory_space<hbm>>
    tpu.enqueue_indirect_dma source(%dma_start3A_148 : memref<100000x128xf32, #tpu.memory_space<hbm>>) target(%arg6 : memref<80x128xf32, #tpu.memory_space<vmem>>) offsets(%dma_start3A_145 : memref<80xi32, #tpu.memory_space<vmem>>) semaphore(%arg10 : memref<!tpu.dma_semaphore, #tpu.memory_space<semaphore_mem>>)
    %dma_wait3A_149 = arith.constant 5 : i32
    %dma_wait3A_150 = arith.constant 0 : i32
    %dma_wait3A_151 = tpu.memref_slice %arg5[%dma_wait3A_149, %dma_wait3A_150] : memref<10x80xi32, #tpu.memory_space<vmem>> -> memref<1x80xi32, #tpu.memory_space<vmem>>
    %dma_wait3A_152 = tpu.memref_squeeze %dma_wait3A_151 : memref<1x80xi32, #tpu.memory_space<vmem>> -> memref<80xi32, #tpu.memory_space<vmem>>
    %dma_wait3A_153 = arith.constant 0 : i32
    %dma_wait3A_154 = arith.constant 0 : i32
    %dma_wait3A_155 = tpu.memref_slice %arg2[%dma_wait3A_153, %dma_wait3A_154] : memref<100000x128xf32, #tpu.memory_space<hbm>> -> memref<100000x128xf32, #tpu.memory_space<hbm>>
    tpu.wait_indirect_dma semaphore(%arg11 : memref<!tpu.dma_semaphore, #tpu.memory_space<semaphore_mem>>) src(%dma_wait3A_155 : memref<100000x128xf32, #tpu.memory_space<hbm>>) dst(%arg7 : memref<80x128xf32, #tpu.memory_space<vmem>>)
    %add3A_156 = arith.constant 400 : i32
    %add3A_157 = arith.addi %mul3A_2, %add3A_156 : i32
    %dma_start3A_158 = arith.constant 0 : i32
    %dma_start3A_159 = tpu.memref_slice %arg4[%add3A_157, %dma_start3A_158] : memref<25600x128xf32, #tpu.memory_space<hbm>> -> memref<80x128xf32, #tpu.memory_space<hbm>>
    %dma_start3A_160 = arith.constant 0 : i32
    %dma_start3A_161 = tpu.memref_slice %arg4[%add3A_157, %dma_start3A_160] : memref<25600x128xf32, #tpu.memory_space<hbm>> -> memref<80x128xf32, #tpu.memory_space<hbm>>
    tpu.enqueue_dma source(%arg7 : memref<80x128xf32, #tpu.memory_space<vmem>>) target(%dma_start3A_161 : memref<80x128xf32, #tpu.memory_space<hbm>>) target_semaphore(%arg15 : memref<!tpu.dma_semaphore, #tpu.memory_space<semaphore_mem>>)
    %dma_wait3A_162 = arith.constant 0 : i32
    %dma_wait3A_163 = tpu.memref_slice %arg4[%add3A_157, %dma_wait3A_162] : memref<25600x128xf32, #tpu.memory_space<hbm>> -> memref<80x128xf32, #tpu.memory_space<hbm>>
    %dma_wait3A_164 = arith.constant 0 : i32
    %dma_wait3A_165 = tpu.memref_slice %arg4[%add3A_157, %dma_wait3A_164] : memref<25600x128xf32, #tpu.memory_space<hbm>> -> memref<80x128xf32, #tpu.memory_space<hbm>>
    tpu.wait_dma2 semaphore(%arg15 : memref<!tpu.dma_semaphore, #tpu.memory_space<semaphore_mem>>) src(%arg7 : memref<80x128xf32, #tpu.memory_space<vmem>>) dst(%dma_wait3A_165 : memref<80x128xf32, #tpu.memory_space<hbm>>)
    %dma_start3A_166 = arith.constant 9 : i32
    %dma_start3A_167 = arith.constant 0 : i32
    %dma_start3A_168 = tpu.memref_slice %arg5[%dma_start3A_166, %dma_start3A_167] : memref<10x80xi32, #tpu.memory_space<vmem>> -> memref<1x80xi32, #tpu.memory_space<vmem>>
    %dma_start3A_169 = tpu.memref_squeeze %dma_start3A_168 : memref<1x80xi32, #tpu.memory_space<vmem>> -> memref<80xi32, #tpu.memory_space<vmem>>
    %dma_start3A_170 = arith.constant 0 : i32
    %dma_start3A_171 = arith.constant 0 : i32
    %dma_start3A_172 = tpu.memref_slice %arg2[%dma_start3A_170, %dma_start3A_171] : memref<100000x128xf32, #tpu.memory_space<hbm>> -> memref<100000x128xf32, #tpu.memory_space<hbm>>
    tpu.enqueue_indirect_dma source(%dma_start3A_172 : memref<100000x128xf32, #tpu.memory_space<hbm>>) target(%arg7 : memref<80x128xf32, #tpu.memory_space<vmem>>) offsets(%dma_start3A_169 : memref<80xi32, #tpu.memory_space<vmem>>) semaphore(%arg11 : memref<!tpu.dma_semaphore, #tpu.memory_space<semaphore_mem>>)
    %dma_wait3A_173 = arith.constant 6 : i32
    %dma_wait3A_174 = arith.constant 0 : i32
    %dma_wait3A_175 = tpu.memref_slice %arg5[%dma_wait3A_173, %dma_wait3A_174] : memref<10x80xi32, #tpu.memory_space<vmem>> -> memref<1x80xi32, #tpu.memory_space<vmem>>
    %dma_wait3A_176 = tpu.memref_squeeze %dma_wait3A_175 : memref<1x80xi32, #tpu.memory_space<vmem>> -> memref<80xi32, #tpu.memory_space<vmem>>
    %dma_wait3A_177 = arith.constant 0 : i32
    %dma_wait3A_178 = arith.constant 0 : i32
    %dma_wait3A_179 = tpu.memref_slice %arg2[%dma_wait3A_177, %dma_wait3A_178] : memref<100000x128xf32, #tpu.memory_space<hbm>> -> memref<100000x128xf32, #tpu.memory_space<hbm>>
    tpu.wait_indirect_dma semaphore(%arg12 : memref<!tpu.dma_semaphore, #tpu.memory_space<semaphore_mem>>) src(%dma_wait3A_179 : memref<100000x128xf32, #tpu.memory_space<hbm>>) dst(%arg8 : memref<80x128xf32, #tpu.memory_space<vmem>>)
    %add3A_180 = arith.constant 480 : i32
    %add3A_181 = arith.addi %mul3A_2, %add3A_180 : i32
    %dma_start3A_182 = arith.constant 0 : i32
    %dma_start3A_183 = tpu.memref_slice %arg4[%add3A_181, %dma_start3A_182] : memref<25600x128xf32, #tpu.memory_space<hbm>> -> memref<80x128xf32, #tpu.memory_space<hbm>>
    %dma_start3A_184 = arith.constant 0 : i32
    %dma_start3A_185 = tpu.memref_slice %arg4[%add3A_181, %dma_start3A_184] : memref<25600x128xf32, #tpu.memory_space<hbm>> -> memref<80x128xf32, #tpu.memory_space<hbm>>
    tpu.enqueue_dma source(%arg8 : memref<80x128xf32, #tpu.memory_space<vmem>>) target(%dma_start3A_185 : memref<80x128xf32, #tpu.memory_space<hbm>>) target_semaphore(%arg16 : memref<!tpu.dma_semaphore, #tpu.memory_space<semaphore_mem>>)
    %dma_wait3A_186 = arith.constant 7 : i32
    %dma_wait3A_187 = arith.constant 0 : i32
    %dma_wait3A_188 = tpu.memref_slice %arg5[%dma_wait3A_186, %dma_wait3A_187] : memref<10x80xi32, #tpu.memory_space<vmem>> -> memref<1x80xi32, #tpu.memory_space<vmem>>
    %dma_wait3A_189 = tpu.memref_squeeze %dma_wait3A_188 : memref<1x80xi32, #tpu.memory_space<vmem>> -> memref<80xi32, #tpu.memory_space<vmem>>
    %dma_wait3A_190 = arith.constant 0 : i32
    %dma_wait3A_191 = arith.constant 0 : i32
    %dma_wait3A_192 = tpu.memref_slice %arg2[%dma_wait3A_190, %dma_wait3A_191] : memref<100000x128xf32, #tpu.memory_space<hbm>> -> memref<100000x128xf32, #tpu.memory_space<hbm>>
    tpu.wait_indirect_dma semaphore(%arg13 : memref<!tpu.dma_semaphore, #tpu.memory_space<semaphore_mem>>) src(%dma_wait3A_192 : memref<100000x128xf32, #tpu.memory_space<hbm>>) dst(%arg9 : memref<80x128xf32, #tpu.memory_space<vmem>>)
    %add3A_193 = arith.constant 560 : i32
    %add3A_194 = arith.addi %mul3A_2, %add3A_193 : i32
    %dma_start3A_195 = arith.constant 0 : i32
    %dma_start3A_196 = tpu.memref_slice %arg4[%add3A_194, %dma_start3A_195] : memref<25600x128xf32, #tpu.memory_space<hbm>> -> memref<80x128xf32, #tpu.memory_space<hbm>>
    %dma_start3A_197 = arith.constant 0 : i32
    %dma_start3A_198 = tpu.memref_slice %arg4[%add3A_194, %dma_start3A_197] : memref<25600x128xf32, #tpu.memory_space<hbm>> -> memref<80x128xf32, #tpu.memory_space<hbm>>
    tpu.enqueue_dma source(%arg9 : memref<80x128xf32, #tpu.memory_space<vmem>>) target(%dma_start3A_198 : memref<80x128xf32, #tpu.memory_space<hbm>>) target_semaphore(%arg17 : memref<!tpu.dma_semaphore, #tpu.memory_space<semaphore_mem>>)
    %dma_wait3A_199 = arith.constant 8 : i32
    %dma_wait3A_200 = arith.constant 0 : i32
    %dma_wait3A_201 = tpu.memref_slice %arg5[%dma_wait3A_199, %dma_wait3A_200] : memref<10x80xi32, #tpu.memory_space<vmem>> -> memref<1x80xi32, #tpu.memory_space<vmem>>
    %dma_wait3A_202 = tpu.memref_squeeze %dma_wait3A_201 : memref<1x80xi32, #tpu.memory_space<vmem>> -> memref<80xi32, #tpu.memory_space<vmem>>
    %dma_wait3A_203 = arith.constant 0 : i32
    %dma_wait3A_204 = arith.constant 0 : i32
    %dma_wait3A_205 = tpu.memref_slice %arg2[%dma_wait3A_203, %dma_wait3A_204] : memref<100000x128xf32, #tpu.memory_space<hbm>> -> memref<100000x128xf32, #tpu.memory_space<hbm>>
    tpu.wait_indirect_dma semaphore(%arg10 : memref<!tpu.dma_semaphore, #tpu.memory_space<semaphore_mem>>) src(%dma_wait3A_205 : memref<100000x128xf32, #tpu.memory_space<hbm>>) dst(%arg6 : memref<80x128xf32, #tpu.memory_space<vmem>>)
    %add3A_206 = arith.constant 640 : i32
    %add3A_207 = arith.addi %mul3A_2, %add3A_206 : i32
    %dma_start3A_208 = arith.constant 0 : i32
    %dma_start3A_209 = tpu.memref_slice %arg4[%add3A_207, %dma_start3A_208] : memref<25600x128xf32, #tpu.memory_space<hbm>> -> memref<80x128xf32, #tpu.memory_space<hbm>>
    %dma_start3A_210 = arith.constant 0 : i32
    %dma_start3A_211 = tpu.memref_slice %arg4[%add3A_207, %dma_start3A_210] : memref<25600x128xf32, #tpu.memory_space<hbm>> -> memref<80x128xf32, #tpu.memory_space<hbm>>
    tpu.enqueue_dma source(%arg6 : memref<80x128xf32, #tpu.memory_space<vmem>>) target(%dma_start3A_211 : memref<80x128xf32, #tpu.memory_space<hbm>>) target_semaphore(%arg14 : memref<!tpu.dma_semaphore, #tpu.memory_space<semaphore_mem>>)
    %dma_wait3A_212 = arith.constant 9 : i32
    %dma_wait3A_213 = arith.constant 0 : i32
    %dma_wait3A_214 = tpu.memref_slice %arg5[%dma_wait3A_212, %dma_wait3A_213] : memref<10x80xi32, #tpu.memory_space<vmem>> -> memref<1x80xi32, #tpu.memory_space<vmem>>
    %dma_wait3A_215 = tpu.memref_squeeze %dma_wait3A_214 : memref<1x80xi32, #tpu.memory_space<vmem>> -> memref<80xi32, #tpu.memory_space<vmem>>
    %dma_wait3A_216 = arith.constant 0 : i32
    %dma_wait3A_217 = arith.constant 0 : i32
    %dma_wait3A_218 = tpu.memref_slice %arg2[%dma_wait3A_216, %dma_wait3A_217] : memref<100000x128xf32, #tpu.memory_space<hbm>> -> memref<100000x128xf32, #tpu.memory_space<hbm>>
    tpu.wait_indirect_dma semaphore(%arg11 : memref<!tpu.dma_semaphore, #tpu.memory_space<semaphore_mem>>) src(%dma_wait3A_218 : memref<100000x128xf32, #tpu.memory_space<hbm>>) dst(%arg7 : memref<80x128xf32, #tpu.memory_space<vmem>>)
    %add3A_219 = arith.constant 720 : i32
    %add3A_220 = arith.addi %mul3A_2, %add3A_219 : i32
    %dma_start3A_221 = arith.constant 0 : i32
    %dma_start3A_222 = tpu.memref_slice %arg4[%add3A_220, %dma_start3A_221] : memref<25600x128xf32, #tpu.memory_space<hbm>> -> memref<80x128xf32, #tpu.memory_space<hbm>>
    %dma_start3A_223 = arith.constant 0 : i32
    %dma_start3A_224 = tpu.memref_slice %arg4[%add3A_220, %dma_start3A_223] : memref<25600x128xf32, #tpu.memory_space<hbm>> -> memref<80x128xf32, #tpu.memory_space<hbm>>
    tpu.enqueue_dma source(%arg7 : memref<80x128xf32, #tpu.memory_space<vmem>>) target(%dma_start3A_224 : memref<80x128xf32, #tpu.memory_space<hbm>>) target_semaphore(%arg15 : memref<!tpu.dma_semaphore, #tpu.memory_space<semaphore_mem>>)
    %dma_wait3A_225 = arith.constant 0 : i32
    %dma_wait3A_226 = tpu.memref_slice %arg4[%add3A_181, %dma_wait3A_225] : memref<25600x128xf32, #tpu.memory_space<hbm>> -> memref<80x128xf32, #tpu.memory_space<hbm>>
    %dma_wait3A_227 = arith.constant 0 : i32
    %dma_wait3A_228 = tpu.memref_slice %arg4[%add3A_181, %dma_wait3A_227] : memref<25600x128xf32, #tpu.memory_space<hbm>> -> memref<80x128xf32, #tpu.memory_space<hbm>>
    tpu.wait_dma2 semaphore(%arg16 : memref<!tpu.dma_semaphore, #tpu.memory_space<semaphore_mem>>) src(%arg8 : memref<80x128xf32, #tpu.memory_space<vmem>>) dst(%dma_wait3A_228 : memref<80x128xf32, #tpu.memory_space<hbm>>)
    %dma_wait3A_229 = arith.constant 0 : i32
    %dma_wait3A_230 = tpu.memref_slice %arg4[%add3A_194, %dma_wait3A_229] : memref<25600x128xf32, #tpu.memory_space<hbm>> -> memref<80x128xf32, #tpu.memory_space<hbm>>
    %dma_wait3A_231 = arith.constant 0 : i32
    %dma_wait3A_232 = tpu.memref_slice %arg4[%add3A_194, %dma_wait3A_231] : memref<25600x128xf32, #tpu.memory_space<hbm>> -> memref<80x128xf32, #tpu.memory_space<hbm>>
    tpu.wait_dma2 semaphore(%arg17 : memref<!tpu.dma_semaphore, #tpu.memory_space<semaphore_mem>>) src(%arg9 : memref<80x128xf32, #tpu.memory_space<vmem>>) dst(%dma_wait3A_232 : memref<80x128xf32, #tpu.memory_space<hbm>>)
    %dma_wait3A_233 = arith.constant 0 : i32
    %dma_wait3A_234 = tpu.memref_slice %arg4[%add3A_207, %dma_wait3A_233] : memref<25600x128xf32, #tpu.memory_space<hbm>> -> memref<80x128xf32, #tpu.memory_space<hbm>>
    %dma_wait3A_235 = arith.constant 0 : i32
    %dma_wait3A_236 = tpu.memref_slice %arg4[%add3A_207, %dma_wait3A_235] : memref<25600x128xf32, #tpu.memory_space<hbm>> -> memref<80x128xf32, #tpu.memory_space<hbm>>
    tpu.wait_dma2 semaphore(%arg14 : memref<!tpu.dma_semaphore, #tpu.memory_space<semaphore_mem>>) src(%arg6 : memref<80x128xf32, #tpu.memory_space<vmem>>) dst(%dma_wait3A_236 : memref<80x128xf32, #tpu.memory_space<hbm>>)
    %dma_wait3A_237 = arith.constant 0 : i32
    %dma_wait3A_238 = tpu.memref_slice %arg4[%add3A_220, %dma_wait3A_237] : memref<25600x128xf32, #tpu.memory_space<hbm>> -> memref<80x128xf32, #tpu.memory_space<hbm>>
    %dma_wait3A_239 = arith.constant 0 : i32
    %dma_wait3A_240 = tpu.memref_slice %arg4[%add3A_220, %dma_wait3A_239] : memref<25600x128xf32, #tpu.memory_space<hbm>> -> memref<80x128xf32, #tpu.memory_space<hbm>>
    tpu.wait_dma2 semaphore(%arg15 : memref<!tpu.dma_semaphore, #tpu.memory_space<semaphore_mem>>) src(%arg7 : memref<80x128xf32, #tpu.memory_space<vmem>>) dst(%dma_wait3A_240 : memref<80x128xf32, #tpu.memory_space<hbm>>)
    return
  }
}

#map = affine_map<(d0, d1) -> (0, 0)>
#map1 = affine_map<(d0, d1) -> (0, 0, 0)>
module attributes {stable_mosaic.version = 14 : i64} {
  func.func @k(%arg0: i32, %arg1: i32, %arg2: memref<100000x128xf32, #tpu.memory_space<hbm>>, %arg3: memref<32x10x80xi32, #tpu.memory_space<hbm>>, %arg4: memref<25600x128xf32, #tpu.memory_space<hbm>>, %arg5: memref<10x80xi32, #tpu.memory_space<vmem>>, %arg6: memref<80x128xf32, #tpu.memory_space<vmem>>, %arg7: memref<80x128xf32, #tpu.memory_space<vmem>>, %arg8: memref<80x128xf32, #tpu.memory_space<vmem>>, %arg9: memref<80x128xf32, #tpu.memory_space<vmem>>, %arg10: memref<!tpu.dma_semaphore, #tpu.memory_space<semaphore_mem>>, %arg11: memref<!tpu.dma_semaphore, #tpu.memory_space<semaphore_mem>>, %arg12: memref<!tpu.dma_semaphore, #tpu.memory_space<semaphore_mem>>, %arg13: memref<!tpu.dma_semaphore, #tpu.memory_space<semaphore_mem>>, %arg14: memref<!tpu.dma_semaphore, #tpu.memory_space<semaphore_mem>>, %arg15: memref<!tpu.dma_semaphore, #tpu.memory_space<semaphore_mem>>, %arg16: memref<!tpu.dma_semaphore, #tpu.memory_space<semaphore_mem>>, %arg17: memref<!tpu.dma_semaphore, #tpu.memory_space<semaphore_mem>>) attributes {dimension_semantics = [#tpu.dimension_semantics<core_parallel>, #tpu.dimension_semantics<subcore_parallel>], iteration_bounds = array<i64: 2, 16>, scalar_prefetch = 0 : i64, scratch_operands = 13 : i64, tpu.core_type = #tpu.core_type<sc_vector_subcore>, window_params = [{transform_indices = #map}, {transform_indices = #map1}, {transform_indices = #map}]} {
    %mul3A = arith.constant 2 : i32
    %mul3A_0 = arith.muli %arg1, %mul3A : i32
    %add3A = arith.addi %mul3A_0, %arg0 : i32
    "tpu.region"() ({
      %run_scoped3A = tpu.sem_alloc : memref<!tpu.dma_semaphore, #tpu.memory_space<semaphore_mem>>
      %dma_start3A_241 = arith.constant 0 : i32
      %dma_start3A_242 = arith.constant 0 : i32
      %dma_start3A_243 = tpu.memref_slice %arg3[%add3A, %dma_start3A_241, %dma_start3A_242] : memref<32x10x80xi32, #tpu.memory_space<hbm>> -> memref<1x10x80xi32, #tpu.memory_space<hbm>>
      %dma_start3A_244 = tpu.memref_squeeze %dma_start3A_243 : memref<1x10x80xi32, #tpu.memory_space<hbm>> -> memref<10x80xi32, #tpu.memory_space<hbm>>
      %dma_start3A_245 = arith.constant 0 : i32
      %dma_start3A_246 = arith.constant 0 : i32
      %dma_start3A_247 = tpu.memref_slice %arg3[%add3A, %dma_start3A_245, %dma_start3A_246] : memref<32x10x80xi32, #tpu.memory_space<hbm>> -> memref<1x10x80xi32, #tpu.memory_space<hbm>>
      %dma_start3A_248 = tpu.memref_squeeze %dma_start3A_247 : memref<1x10x80xi32, #tpu.memory_space<hbm>> -> memref<10x80xi32, #tpu.memory_space<hbm>>
      tpu.enqueue_dma source(%dma_start3A_248 : memref<10x80xi32, #tpu.memory_space<hbm>>) target(%arg5 : memref<10x80xi32, #tpu.memory_space<vmem>>) target_semaphore(%run_scoped3A : memref<!tpu.dma_semaphore, #tpu.memory_space<semaphore_mem>>)
      %dma_wait3A_249 = arith.constant 0 : i32
      %dma_wait3A_250 = arith.constant 0 : i32
      %dma_wait3A_251 = tpu.memref_slice %arg3[%add3A, %dma_wait3A_249, %dma_wait3A_250] : memref<32x10x80xi32, #tpu.memory_space<hbm>> -> memref<1x10x80xi32, #tpu.memory_space<hbm>>
      %dma_wait3A_252 = tpu.memref_squeeze %dma_wait3A_251 : memref<1x10x80xi32, #tpu.memory_space<hbm>> -> memref<10x80xi32, #tpu.memory_space<hbm>>
      %dma_wait3A_253 = arith.constant 0 : i32
      %dma_wait3A_254 = arith.constant 0 : i32
      %dma_wait3A_255 = tpu.memref_slice %arg3[%add3A, %dma_wait3A_253, %dma_wait3A_254] : memref<32x10x80xi32, #tpu.memory_space<hbm>> -> memref<1x10x80xi32, #tpu.memory_space<hbm>>
      %dma_wait3A_256 = tpu.memref_squeeze %dma_wait3A_255 : memref<1x10x80xi32, #tpu.memory_space<hbm>> -> memref<10x80xi32, #tpu.memory_space<hbm>>
      tpu.wait_dma2 semaphore(%run_scoped3A : memref<!tpu.dma_semaphore, #tpu.memory_space<semaphore_mem>>) src(%dma_wait3A_256 : memref<10x80xi32, #tpu.memory_space<hbm>>) dst(%arg5 : memref<10x80xi32, #tpu.memory_space<vmem>>)
      tpu.yield
    }) : () -> ()
    %mul3A_1 = arith.constant 800 : i32
    %mul3A_2 = arith.muli %add3A, %mul3A_1 : i32
    %dma_start3A = arith.constant 0 : i32
    %dma_start3A_3 = arith.constant 0 : i32
    %dma_start3A_4 = tpu.memref_slice %arg5[%dma_start3A, %dma_start3A_3] : memref<10x80xi32, #tpu.memory_space<vmem>> -> memref<1x80xi32, #tpu.memory_space<vmem>>
    %dma_start3A_5 = tpu.memref_squeeze %dma_start3A_4 : memref<1x80xi32, #tpu.memory_space<vmem>> -> memref<80xi32, #tpu.memory_space<vmem>>
    %dma_start3A_6 = arith.constant 0 : i32
    %dma_start3A_7 = arith.constant 0 : i32
    %dma_start3A_8 = tpu.memref_slice %arg2[%dma_start3A_6, %dma_start3A_7] : memref<100000x128xf32, #tpu.memory_space<hbm>> -> memref<100000x128xf32, #tpu.memory_space<hbm>>
    tpu.enqueue_indirect_dma source(%dma_start3A_8 : memref<100000x128xf32, #tpu.memory_space<hbm>>) target(%arg6 : memref<80x128xf32, #tpu.memory_space<vmem>>) offsets(%dma_start3A_5 : memref<80xi32, #tpu.memory_space<vmem>>) semaphore(%arg10 : memref<!tpu.dma_semaphore, #tpu.memory_space<semaphore_mem>>)
    %dma_start3A_9 = arith.constant 1 : i32
    %dma_start3A_10 = arith.constant 0 : i32
    %dma_start3A_11 = tpu.memref_slice %arg5[%dma_start3A_9, %dma_start3A_10] : memref<10x80xi32, #tpu.memory_space<vmem>> -> memref<1x80xi32, #tpu.memory_space<vmem>>
    %dma_start3A_12 = tpu.memref_squeeze %dma_start3A_11 : memref<1x80xi32, #tpu.memory_space<vmem>> -> memref<80xi32, #tpu.memory_space<vmem>>
    %dma_start3A_13 = arith.constant 0 : i32
    %dma_start3A_14 = arith.constant 0 : i32
    %dma_start3A_15 = tpu.memref_slice %arg2[%dma_start3A_13, %dma_start3A_14] : memref<100000x128xf32, #tpu.memory_space<hbm>> -> memref<100000x128xf32, #tpu.memory_space<hbm>>
    tpu.enqueue_indirect_dma source(%dma_start3A_15 : memref<100000x128xf32, #tpu.memory_space<hbm>>) target(%arg7 : memref<80x128xf32, #tpu.memory_space<vmem>>) offsets(%dma_start3A_12 : memref<80xi32, #tpu.memory_space<vmem>>) semaphore(%arg11 : memref<!tpu.dma_semaphore, #tpu.memory_space<semaphore_mem>>)
    %dma_start3A_16 = arith.constant 2 : i32
    %dma_start3A_17 = arith.constant 0 : i32
    %dma_start3A_18 = tpu.memref_slice %arg5[%dma_start3A_16, %dma_start3A_17] : memref<10x80xi32, #tpu.memory_space<vmem>> -> memref<1x80xi32, #tpu.memory_space<vmem>>
    %dma_start3A_19 = tpu.memref_squeeze %dma_start3A_18 : memref<1x80xi32, #tpu.memory_space<vmem>> -> memref<80xi32, #tpu.memory_space<vmem>>
    %dma_start3A_20 = arith.constant 0 : i32
    %dma_start3A_21 = arith.constant 0 : i32
    %dma_start3A_22 = tpu.memref_slice %arg2[%dma_start3A_20, %dma_start3A_21] : memref<100000x128xf32, #tpu.memory_space<hbm>> -> memref<100000x128xf32, #tpu.memory_space<hbm>>
    tpu.enqueue_indirect_dma source(%dma_start3A_22 : memref<100000x128xf32, #tpu.memory_space<hbm>>) target(%arg8 : memref<80x128xf32, #tpu.memory_space<vmem>>) offsets(%dma_start3A_19 : memref<80xi32, #tpu.memory_space<vmem>>) semaphore(%arg12 : memref<!tpu.dma_semaphore, #tpu.memory_space<semaphore_mem>>)
    %dma_start3A_23 = arith.constant 3 : i32
    %dma_start3A_24 = arith.constant 0 : i32
    %dma_start3A_25 = tpu.memref_slice %arg5[%dma_start3A_23, %dma_start3A_24] : memref<10x80xi32, #tpu.memory_space<vmem>> -> memref<1x80xi32, #tpu.memory_space<vmem>>
    %dma_start3A_26 = tpu.memref_squeeze %dma_start3A_25 : memref<1x80xi32, #tpu.memory_space<vmem>> -> memref<80xi32, #tpu.memory_space<vmem>>
    %dma_start3A_27 = arith.constant 0 : i32
    %dma_start3A_28 = arith.constant 0 : i32
    %dma_start3A_29 = tpu.memref_slice %arg2[%dma_start3A_27, %dma_start3A_28] : memref<100000x128xf32, #tpu.memory_space<hbm>> -> memref<100000x128xf32, #tpu.memory_space<hbm>>
    tpu.enqueue_indirect_dma source(%dma_start3A_29 : memref<100000x128xf32, #tpu.memory_space<hbm>>) target(%arg9 : memref<80x128xf32, #tpu.memory_space<vmem>>) offsets(%dma_start3A_26 : memref<80xi32, #tpu.memory_space<vmem>>) semaphore(%arg13 : memref<!tpu.dma_semaphore, #tpu.memory_space<semaphore_mem>>)
    %dma_wait3A = arith.constant 0 : i32
    %dma_wait3A_30 = arith.constant 0 : i32
    %dma_wait3A_31 = tpu.memref_slice %arg5[%dma_wait3A, %dma_wait3A_30] : memref<10x80xi32, #tpu.memory_space<vmem>> -> memref<1x80xi32, #tpu.memory_space<vmem>>
    %dma_wait3A_32 = tpu.memref_squeeze %dma_wait3A_31 : memref<1x80xi32, #tpu.memory_space<vmem>> -> memref<80xi32, #tpu.memory_space<vmem>>
    %dma_wait3A_33 = arith.constant 0 : i32
    %dma_wait3A_34 = arith.constant 0 : i32
    %dma_wait3A_35 = tpu.memref_slice %arg2[%dma_wait3A_33, %dma_wait3A_34] : memref<100000x128xf32, #tpu.memory_space<hbm>> -> memref<100000x128xf32, #tpu.memory_space<hbm>>
    tpu.wait_indirect_dma semaphore(%arg10 : memref<!tpu.dma_semaphore, #tpu.memory_space<semaphore_mem>>) src(%dma_wait3A_35 : memref<100000x128xf32, #tpu.memory_space<hbm>>) dst(%arg6 : memref<80x128xf32, #tpu.memory_space<vmem>>)
    %add3A_36 = arith.constant 0 : i32
    %add3A_37 = arith.addi %mul3A_2, %add3A_36 : i32
    %dma_start3A_38 = arith.constant 0 : i32
    %dma_start3A_39 = tpu.memref_slice %arg4[%add3A_37, %dma_start3A_38] : memref<25600x128xf32, #tpu.memory_space<hbm>> -> memref<80x128xf32, #tpu.memory_space<hbm>>
    %dma_start3A_40 = arith.constant 0 : i32
    %dma_start3A_41 = tpu.memref_slice %arg4[%add3A_37, %dma_start3A_40] : memref<25600x128xf32, #tpu.memory_space<hbm>> -> memref<80x128xf32, #tpu.memory_space<hbm>>
    tpu.enqueue_dma source(%arg6 : memref<80x128xf32, #tpu.memory_space<vmem>>) target(%dma_start3A_41 : memref<80x128xf32, #tpu.memory_space<hbm>>) target_semaphore(%arg14 : memref<!tpu.dma_semaphore, #tpu.memory_space<semaphore_mem>>)
    %dma_wait3A_42 = arith.constant 0 : i32
    %dma_wait3A_43 = tpu.memref_slice %arg4[%add3A_37, %dma_wait3A_42] : memref<25600x128xf32, #tpu.memory_space<hbm>> -> memref<80x128xf32, #tpu.memory_space<hbm>>
    %dma_wait3A_44 = arith.constant 0 : i32
    %dma_wait3A_45 = tpu.memref_slice %arg4[%add3A_37, %dma_wait3A_44] : memref<25600x128xf32, #tpu.memory_space<hbm>> -> memref<80x128xf32, #tpu.memory_space<hbm>>
    tpu.wait_dma2 semaphore(%arg14 : memref<!tpu.dma_semaphore, #tpu.memory_space<semaphore_mem>>) src(%arg6 : memref<80x128xf32, #tpu.memory_space<vmem>>) dst(%dma_wait3A_45 : memref<80x128xf32, #tpu.memory_space<hbm>>)
    %dma_start3A_46 = arith.constant 4 : i32
    %dma_start3A_47 = arith.constant 0 : i32
    %dma_start3A_48 = tpu.memref_slice %arg5[%dma_start3A_46, %dma_start3A_47] : memref<10x80xi32, #tpu.memory_space<vmem>> -> memref<1x80xi32, #tpu.memory_space<vmem>>
    %dma_start3A_49 = tpu.memref_squeeze %dma_start3A_48 : memref<1x80xi32, #tpu.memory_space<vmem>> -> memref<80xi32, #tpu.memory_space<vmem>>
    %dma_start3A_50 = arith.constant 0 : i32
    %dma_start3A_51 = arith.constant 0 : i32
    %dma_start3A_52 = tpu.memref_slice %arg2[%dma_start3A_50, %dma_start3A_51] : memref<100000x128xf32, #tpu.memory_space<hbm>> -> memref<100000x128xf32, #tpu.memory_space<hbm>>
    tpu.enqueue_indirect_dma source(%dma_start3A_52 : memref<100000x128xf32, #tpu.memory_space<hbm>>) target(%arg6 : memref<80x128xf32, #tpu.memory_space<vmem>>) offsets(%dma_start3A_49 : memref<80xi32, #tpu.memory_space<vmem>>) semaphore(%arg10 : memref<!tpu.dma_semaphore, #tpu.memory_space<semaphore_mem>>)
    %dma_wait3A_53 = arith.constant 1 : i32
    %dma_wait3A_54 = arith.constant 0 : i32
    %dma_wait3A_55 = tpu.memref_slice %arg5[%dma_wait3A_53, %dma_wait3A_54] : memref<10x80xi32, #tpu.memory_space<vmem>> -> memref<1x80xi32, #tpu.memory_space<vmem>>
    %dma_wait3A_56 = tpu.memref_squeeze %dma_wait3A_55 : memref<1x80xi32, #tpu.memory_space<vmem>> -> memref<80xi32, #tpu.memory_space<vmem>>
    %dma_wait3A_57 = arith.constant 0 : i32
    %dma_wait3A_58 = arith.constant 0 : i32
    %dma_wait3A_59 = tpu.memref_slice %arg2[%dma_wait3A_57, %dma_wait3A_58] : memref<100000x128xf32, #tpu.memory_space<hbm>> -> memref<100000x128xf32, #tpu.memory_space<hbm>>
    tpu.wait_indirect_dma semaphore(%arg11 : memref<!tpu.dma_semaphore, #tpu.memory_space<semaphore_mem>>) src(%dma_wait3A_59 : memref<100000x128xf32, #tpu.memory_space<hbm>>) dst(%arg7 : memref<80x128xf32, #tpu.memory_space<vmem>>)
    %add3A_60 = arith.constant 80 : i32
    %add3A_61 = arith.addi %mul3A_2, %add3A_60 : i32
    %dma_start3A_62 = arith.constant 0 : i32
    %dma_start3A_63 = tpu.memref_slice %arg4[%add3A_61, %dma_start3A_62] : memref<25600x128xf32, #tpu.memory_space<hbm>> -> memref<80x128xf32, #tpu.memory_space<hbm>>
    %dma_start3A_64 = arith.constant 0 : i32
    %dma_start3A_65 = tpu.memref_slice %arg4[%add3A_61, %dma_start3A_64] : memref<25600x128xf32, #tpu.memory_space<hbm>> -> memref<80x128xf32, #tpu.memory_space<hbm>>
    tpu.enqueue_dma source(%arg7 : memref<80x128xf32, #tpu.memory_space<vmem>>) target(%dma_start3A_65 : memref<80x128xf32, #tpu.memory_space<hbm>>) target_semaphore(%arg15 : memref<!tpu.dma_semaphore, #tpu.memory_space<semaphore_mem>>)
    %dma_wait3A_66 = arith.constant 0 : i32
    %dma_wait3A_67 = tpu.memref_slice %arg4[%add3A_61, %dma_wait3A_66] : memref<25600x128xf32, #tpu.memory_space<hbm>> -> memref<80x128xf32, #tpu.memory_space<hbm>>
    %dma_wait3A_68 = arith.constant 0 : i32
    %dma_wait3A_69 = tpu.memref_slice %arg4[%add3A_61, %dma_wait3A_68] : memref<25600x128xf32, #tpu.memory_space<hbm>> -> memref<80x128xf32, #tpu.memory_space<hbm>>
    tpu.wait_dma2 semaphore(%arg15 : memref<!tpu.dma_semaphore, #tpu.memory_space<semaphore_mem>>) src(%arg7 : memref<80x128xf32, #tpu.memory_space<vmem>>) dst(%dma_wait3A_69 : memref<80x128xf32, #tpu.memory_space<hbm>>)
    %dma_start3A_70 = arith.constant 5 : i32
    %dma_start3A_71 = arith.constant 0 : i32
    %dma_start3A_72 = tpu.memref_slice %arg5[%dma_start3A_70, %dma_start3A_71] : memref<10x80xi32, #tpu.memory_space<vmem>> -> memref<1x80xi32, #tpu.memory_space<vmem>>
    %dma_start3A_73 = tpu.memref_squeeze %dma_start3A_72 : memref<1x80xi32, #tpu.memory_space<vmem>> -> memref<80xi32, #tpu.memory_space<vmem>>
    %dma_start3A_74 = arith.constant 0 : i32
    %dma_start3A_75 = arith.constant 0 : i32
    %dma_start3A_76 = tpu.memref_slice %arg2[%dma_start3A_74, %dma_start3A_75] : memref<100000x128xf32, #tpu.memory_space<hbm>> -> memref<100000x128xf32, #tpu.memory_space<hbm>>
    tpu.enqueue_indirect_dma source(%dma_start3A_76 : memref<100000x128xf32, #tpu.memory_space<hbm>>) target(%arg7 : memref<80x128xf32, #tpu.memory_space<vmem>>) offsets(%dma_start3A_73 : memref<80xi32, #tpu.memory_space<vmem>>) semaphore(%arg11 : memref<!tpu.dma_semaphore, #tpu.memory_space<semaphore_mem>>)
    %dma_wait3A_77 = arith.constant 2 : i32
    %dma_wait3A_78 = arith.constant 0 : i32
    %dma_wait3A_79 = tpu.memref_slice %arg5[%dma_wait3A_77, %dma_wait3A_78] : memref<10x80xi32, #tpu.memory_space<vmem>> -> memref<1x80xi32, #tpu.memory_space<vmem>>
    %dma_wait3A_80 = tpu.memref_squeeze %dma_wait3A_79 : memref<1x80xi32, #tpu.memory_space<vmem>> -> memref<80xi32, #tpu.memory_space<vmem>>
    %dma_wait3A_81 = arith.constant 0 : i32
    %dma_wait3A_82 = arith.constant 0 : i32
    %dma_wait3A_83 = tpu.memref_slice %arg2[%dma_wait3A_81, %dma_wait3A_82] : memref<100000x128xf32, #tpu.memory_space<hbm>> -> memref<100000x128xf32, #tpu.memory_space<hbm>>
    tpu.wait_indirect_dma semaphore(%arg12 : memref<!tpu.dma_semaphore, #tpu.memory_space<semaphore_mem>>) src(%dma_wait3A_83 : memref<100000x128xf32, #tpu.memory_space<hbm>>) dst(%arg8 : memref<80x128xf32, #tpu.memory_space<vmem>>)
    %add3A_84 = arith.constant 160 : i32
    %add3A_85 = arith.addi %mul3A_2, %add3A_84 : i32
    %dma_start3A_86 = arith.constant 0 : i32
    %dma_start3A_87 = tpu.memref_slice %arg4[%add3A_85, %dma_start3A_86] : memref<25600x128xf32, #tpu.memory_space<hbm>> -> memref<80x128xf32, #tpu.memory_space<hbm>>
    %dma_start3A_88 = arith.constant 0 : i32
    %dma_start3A_89 = tpu.memref_slice %arg4[%add3A_85, %dma_start3A_88] : memref<25600x128xf32, #tpu.memory_space<hbm>> -> memref<80x128xf32, #tpu.memory_space<hbm>>
    tpu.enqueue_dma source(%arg8 : memref<80x128xf32, #tpu.memory_space<vmem>>) target(%dma_start3A_89 : memref<80x128xf32, #tpu.memory_space<hbm>>) target_semaphore(%arg16 : memref<!tpu.dma_semaphore, #tpu.memory_space<semaphore_mem>>)
    %dma_wait3A_90 = arith.constant 0 : i32
    %dma_wait3A_91 = tpu.memref_slice %arg4[%add3A_85, %dma_wait3A_90] : memref<25600x128xf32, #tpu.memory_space<hbm>> -> memref<80x128xf32, #tpu.memory_space<hbm>>
    %dma_wait3A_92 = arith.constant 0 : i32
    %dma_wait3A_93 = tpu.memref_slice %arg4[%add3A_85, %dma_wait3A_92] : memref<25600x128xf32, #tpu.memory_space<hbm>> -> memref<80x128xf32, #tpu.memory_space<hbm>>
    tpu.wait_dma2 semaphore(%arg16 : memref<!tpu.dma_semaphore, #tpu.memory_space<semaphore_mem>>) src(%arg8 : memref<80x128xf32, #tpu.memory_space<vmem>>) dst(%dma_wait3A_93 : memref<80x128xf32, #tpu.memory_space<hbm>>)
    %dma_start3A_94 = arith.constant 6 : i32
    %dma_start3A_95 = arith.constant 0 : i32
    %dma_start3A_96 = tpu.memref_slice %arg5[%dma_start3A_94, %dma_start3A_95] : memref<10x80xi32, #tpu.memory_space<vmem>> -> memref<1x80xi32, #tpu.memory_space<vmem>>
    %dma_start3A_97 = tpu.memref_squeeze %dma_start3A_96 : memref<1x80xi32, #tpu.memory_space<vmem>> -> memref<80xi32, #tpu.memory_space<vmem>>
    %dma_start3A_98 = arith.constant 0 : i32
    %dma_start3A_99 = arith.constant 0 : i32
    %dma_start3A_100 = tpu.memref_slice %arg2[%dma_start3A_98, %dma_start3A_99] : memref<100000x128xf32, #tpu.memory_space<hbm>> -> memref<100000x128xf32, #tpu.memory_space<hbm>>
    tpu.enqueue_indirect_dma source(%dma_start3A_100 : memref<100000x128xf32, #tpu.memory_space<hbm>>) target(%arg8 : memref<80x128xf32, #tpu.memory_space<vmem>>) offsets(%dma_start3A_97 : memref<80xi32, #tpu.memory_space<vmem>>) semaphore(%arg12 : memref<!tpu.dma_semaphore, #tpu.memory_space<semaphore_mem>>)
    %dma_wait3A_101 = arith.constant 3 : i32
    %dma_wait3A_102 = arith.constant 0 : i32
    %dma_wait3A_103 = tpu.memref_slice %arg5[%dma_wait3A_101, %dma_wait3A_102] : memref<10x80xi32, #tpu.memory_space<vmem>> -> memref<1x80xi32, #tpu.memory_space<vmem>>
    %dma_wait3A_104 = tpu.memref_squeeze %dma_wait3A_103 : memref<1x80xi32, #tpu.memory_space<vmem>> -> memref<80xi32, #tpu.memory_space<vmem>>
    %dma_wait3A_105 = arith.constant 0 : i32
    %dma_wait3A_106 = arith.constant 0 : i32
    %dma_wait3A_107 = tpu.memref_slice %arg2[%dma_wait3A_105, %dma_wait3A_106] : memref<100000x128xf32, #tpu.memory_space<hbm>> -> memref<100000x128xf32, #tpu.memory_space<hbm>>
    tpu.wait_indirect_dma semaphore(%arg13 : memref<!tpu.dma_semaphore, #tpu.memory_space<semaphore_mem>>) src(%dma_wait3A_107 : memref<100000x128xf32, #tpu.memory_space<hbm>>) dst(%arg9 : memref<80x128xf32, #tpu.memory_space<vmem>>)
    %add3A_108 = arith.constant 240 : i32
    %add3A_109 = arith.addi %mul3A_2, %add3A_108 : i32
    %dma_start3A_110 = arith.constant 0 : i32
    %dma_start3A_111 = tpu.memref_slice %arg4[%add3A_109, %dma_start3A_110] : memref<25600x128xf32, #tpu.memory_space<hbm>> -> memref<80x128xf32, #tpu.memory_space<hbm>>
    %dma_start3A_112 = arith.constant 0 : i32
    %dma_start3A_113 = tpu.memref_slice %arg4[%add3A_109, %dma_start3A_112] : memref<25600x128xf32, #tpu.memory_space<hbm>> -> memref<80x128xf32, #tpu.memory_space<hbm>>
    tpu.enqueue_dma source(%arg9 : memref<80x128xf32, #tpu.memory_space<vmem>>) target(%dma_start3A_113 : memref<80x128xf32, #tpu.memory_space<hbm>>) target_semaphore(%arg17 : memref<!tpu.dma_semaphore, #tpu.memory_space<semaphore_mem>>)
    %dma_wait3A_114 = arith.constant 0 : i32
    %dma_wait3A_115 = tpu.memref_slice %arg4[%add3A_109, %dma_wait3A_114] : memref<25600x128xf32, #tpu.memory_space<hbm>> -> memref<80x128xf32, #tpu.memory_space<hbm>>
    %dma_wait3A_116 = arith.constant 0 : i32
    %dma_wait3A_117 = tpu.memref_slice %arg4[%add3A_109, %dma_wait3A_116] : memref<25600x128xf32, #tpu.memory_space<hbm>> -> memref<80x128xf32, #tpu.memory_space<hbm>>
    tpu.wait_dma2 semaphore(%arg17 : memref<!tpu.dma_semaphore, #tpu.memory_space<semaphore_mem>>) src(%arg9 : memref<80x128xf32, #tpu.memory_space<vmem>>) dst(%dma_wait3A_117 : memref<80x128xf32, #tpu.memory_space<hbm>>)
    %dma_start3A_118 = arith.constant 7 : i32
    %dma_start3A_119 = arith.constant 0 : i32
    %dma_start3A_120 = tpu.memref_slice %arg5[%dma_start3A_118, %dma_start3A_119] : memref<10x80xi32, #tpu.memory_space<vmem>> -> memref<1x80xi32, #tpu.memory_space<vmem>>
    %dma_start3A_121 = tpu.memref_squeeze %dma_start3A_120 : memref<1x80xi32, #tpu.memory_space<vmem>> -> memref<80xi32, #tpu.memory_space<vmem>>
    %dma_start3A_122 = arith.constant 0 : i32
    %dma_start3A_123 = arith.constant 0 : i32
    %dma_start3A_124 = tpu.memref_slice %arg2[%dma_start3A_122, %dma_start3A_123] : memref<100000x128xf32, #tpu.memory_space<hbm>> -> memref<100000x128xf32, #tpu.memory_space<hbm>>
    tpu.enqueue_indirect_dma source(%dma_start3A_124 : memref<100000x128xf32, #tpu.memory_space<hbm>>) target(%arg9 : memref<80x128xf32, #tpu.memory_space<vmem>>) offsets(%dma_start3A_121 : memref<80xi32, #tpu.memory_space<vmem>>) semaphore(%arg13 : memref<!tpu.dma_semaphore, #tpu.memory_space<semaphore_mem>>)
    %dma_wait3A_125 = arith.constant 4 : i32
    %dma_wait3A_126 = arith.constant 0 : i32
    %dma_wait3A_127 = tpu.memref_slice %arg5[%dma_wait3A_125, %dma_wait3A_126] : memref<10x80xi32, #tpu.memory_space<vmem>> -> memref<1x80xi32, #tpu.memory_space<vmem>>
    %dma_wait3A_128 = tpu.memref_squeeze %dma_wait3A_127 : memref<1x80xi32, #tpu.memory_space<vmem>> -> memref<80xi32, #tpu.memory_space<vmem>>
    %dma_wait3A_129 = arith.constant 0 : i32
    %dma_wait3A_130 = arith.constant 0 : i32
    %dma_wait3A_131 = tpu.memref_slice %arg2[%dma_wait3A_129, %dma_wait3A_130] : memref<100000x128xf32, #tpu.memory_space<hbm>> -> memref<100000x128xf32, #tpu.memory_space<hbm>>
    tpu.wait_indirect_dma semaphore(%arg10 : memref<!tpu.dma_semaphore, #tpu.memory_space<semaphore_mem>>) src(%dma_wait3A_131 : memref<100000x128xf32, #tpu.memory_space<hbm>>) dst(%arg6 : memref<80x128xf32, #tpu.memory_space<vmem>>)
    %add3A_132 = arith.constant 320 : i32
    %add3A_133 = arith.addi %mul3A_2, %add3A_132 : i32
    %dma_start3A_134 = arith.constant 0 : i32
    %dma_start3A_135 = tpu.memref_slice %arg4[%add3A_133, %dma_start3A_134] : memref<25600x128xf32, #tpu.memory_space<hbm>> -> memref<80x128xf32, #tpu.memory_space<hbm>>
    %dma_start3A_136 = arith.constant 0 : i32
    %dma_start3A_137 = tpu.memref_slice %arg4[%add3A_133, %dma_start3A_136] : memref<25600x128xf32, #tpu.memory_space<hbm>> -> memref<80x128xf32, #tpu.memory_space<hbm>>
    tpu.enqueue_dma source(%arg6 : memref<80x128xf32, #tpu.memory_space<vmem>>) target(%dma_start3A_137 : memref<80x128xf32, #tpu.memory_space<hbm>>) target_semaphore(%arg14 : memref<!tpu.dma_semaphore, #tpu.memory_space<semaphore_mem>>)
    %dma_wait3A_138 = arith.constant 0 : i32
    %dma_wait3A_139 = tpu.memref_slice %arg4[%add3A_133, %dma_wait3A_138] : memref<25600x128xf32, #tpu.memory_space<hbm>> -> memref<80x128xf32, #tpu.memory_space<hbm>>
    %dma_wait3A_140 = arith.constant 0 : i32
    %dma_wait3A_141 = tpu.memref_slice %arg4[%add3A_133, %dma_wait3A_140] : memref<25600x128xf32, #tpu.memory_space<hbm>> -> memref<80x128xf32, #tpu.memory_space<hbm>>
    tpu.wait_dma2 semaphore(%arg14 : memref<!tpu.dma_semaphore, #tpu.memory_space<semaphore_mem>>) src(%arg6 : memref<80x128xf32, #tpu.memory_space<vmem>>) dst(%dma_wait3A_141 : memref<80x128xf32, #tpu.memory_space<hbm>>)
    %dma_start3A_142 = arith.constant 8 : i32
    %dma_start3A_143 = arith.constant 0 : i32
    %dma_start3A_144 = tpu.memref_slice %arg5[%dma_start3A_142, %dma_start3A_143] : memref<10x80xi32, #tpu.memory_space<vmem>> -> memref<1x80xi32, #tpu.memory_space<vmem>>
    %dma_start3A_145 = tpu.memref_squeeze %dma_start3A_144 : memref<1x80xi32, #tpu.memory_space<vmem>> -> memref<80xi32, #tpu.memory_space<vmem>>
    %dma_start3A_146 = arith.constant 0 : i32
    %dma_start3A_147 = arith.constant 0 : i32
    %dma_start3A_148 = tpu.memref_slice %arg2[%dma_start3A_146, %dma_start3A_147] : memref<100000x128xf32, #tpu.memory_space<hbm>> -> memref<100000x128xf32, #tpu.memory_space<hbm>>
    tpu.enqueue_indirect_dma source(%dma_start3A_148 : memref<100000x128xf32, #tpu.memory_space<hbm>>) target(%arg6 : memref<80x128xf32, #tpu.memory_space<vmem>>) offsets(%dma_start3A_145 : memref<80xi32, #tpu.memory_space<vmem>>) semaphore(%arg10 : memref<!tpu.dma_semaphore, #tpu.memory_space<semaphore_mem>>)
    %dma_wait3A_149 = arith.constant 5 : i32
    %dma_wait3A_150 = arith.constant 0 : i32
    %dma_wait3A_151 = tpu.memref_slice %arg5[%dma_wait3A_149, %dma_wait3A_150] : memref<10x80xi32, #tpu.memory_space<vmem>> -> memref<1x80xi32, #tpu.memory_space<vmem>>
    %dma_wait3A_152 = tpu.memref_squeeze %dma_wait3A_151 : memref<1x80xi32, #tpu.memory_space<vmem>> -> memref<80xi32, #tpu.memory_space<vmem>>
    %dma_wait3A_153 = arith.constant 0 : i32
    %dma_wait3A_154 = arith.constant 0 : i32
    %dma_wait3A_155 = tpu.memref_slice %arg2[%dma_wait3A_153, %dma_wait3A_154] : memref<100000x128xf32, #tpu.memory_space<hbm>> -> memref<100000x128xf32, #tpu.memory_space<hbm>>
    tpu.wait_indirect_dma semaphore(%arg11 : memref<!tpu.dma_semaphore, #tpu.memory_space<semaphore_mem>>) src(%dma_wait3A_155 : memref<100000x128xf32, #tpu.memory_space<hbm>>) dst(%arg7 : memref<80x128xf32, #tpu.memory_space<vmem>>)
    %add3A_156 = arith.constant 400 : i32
    %add3A_157 = arith.addi %mul3A_2, %add3A_156 : i32
    %dma_start3A_158 = arith.constant 0 : i32
    %dma_start3A_159 = tpu.memref_slice %arg4[%add3A_157, %dma_start3A_158] : memref<25600x128xf32, #tpu.memory_space<hbm>> -> memref<80x128xf32, #tpu.memory_space<hbm>>
    %dma_start3A_160 = arith.constant 0 : i32
    %dma_start3A_161 = tpu.memref_slice %arg4[%add3A_157, %dma_start3A_160] : memref<25600x128xf32, #tpu.memory_space<hbm>> -> memref<80x128xf32, #tpu.memory_space<hbm>>
    tpu.enqueue_dma source(%arg7 : memref<80x128xf32, #tpu.memory_space<vmem>>) target(%dma_start3A_161 : memref<80x128xf32, #tpu.memory_space<hbm>>) target_semaphore(%arg15 : memref<!tpu.dma_semaphore, #tpu.memory_space<semaphore_mem>>)
    %dma_wait3A_162 = arith.constant 0 : i32
    %dma_wait3A_163 = tpu.memref_slice %arg4[%add3A_157, %dma_wait3A_162] : memref<25600x128xf32, #tpu.memory_space<hbm>> -> memref<80x128xf32, #tpu.memory_space<hbm>>
    %dma_wait3A_164 = arith.constant 0 : i32
    %dma_wait3A_165 = tpu.memref_slice %arg4[%add3A_157, %dma_wait3A_164] : memref<25600x128xf32, #tpu.memory_space<hbm>> -> memref<80x128xf32, #tpu.memory_space<hbm>>
    tpu.wait_dma2 semaphore(%arg15 : memref<!tpu.dma_semaphore, #tpu.memory_space<semaphore_mem>>) src(%arg7 : memref<80x128xf32, #tpu.memory_space<vmem>>) dst(%dma_wait3A_165 : memref<80x128xf32, #tpu.memory_space<hbm>>)
    %dma_start3A_166 = arith.constant 9 : i32
    %dma_start3A_167 = arith.constant 0 : i32
    %dma_start3A_168 = tpu.memref_slice %arg5[%dma_start3A_166, %dma_start3A_167] : memref<10x80xi32, #tpu.memory_space<vmem>> -> memref<1x80xi32, #tpu.memory_space<vmem>>
    %dma_start3A_169 = tpu.memref_squeeze %dma_start3A_168 : memref<1x80xi32, #tpu.memory_space<vmem>> -> memref<80xi32, #tpu.memory_space<vmem>>
    %dma_start3A_170 = arith.constant 0 : i32
    %dma_start3A_171 = arith.constant 0 : i32
    %dma_start3A_172 = tpu.memref_slice %arg2[%dma_start3A_170, %dma_start3A_171] : memref<100000x128xf32, #tpu.memory_space<hbm>> -> memref<100000x128xf32, #tpu.memory_space<hbm>>
    tpu.enqueue_indirect_dma source(%dma_start3A_172 : memref<100000x128xf32, #tpu.memory_space<hbm>>) target(%arg7 : memref<80x128xf32, #tpu.memory_space<vmem>>) offsets(%dma_start3A_169 : memref<80xi32, #tpu.memory_space<vmem>>) semaphore(%arg11 : memref<!tpu.dma_semaphore, #tpu.memory_space<semaphore_mem>>)
    %dma_wait3A_173 = arith.constant 6 : i32
    %dma_wait3A_174 = arith.constant 0 : i32
    %dma_wait3A_175 = tpu.memref_slice %arg5[%dma_wait3A_173, %dma_wait3A_174] : memref<10x80xi32, #tpu.memory_space<vmem>> -> memref<1x80xi32, #tpu.memory_space<vmem>>
    %dma_wait3A_176 = tpu.memref_squeeze %dma_wait3A_175 : memref<1x80xi32, #tpu.memory_space<vmem>> -> memref<80xi32, #tpu.memory_space<vmem>>
    %dma_wait3A_177 = arith.constant 0 : i32
    %dma_wait3A_178 = arith.constant 0 : i32
    %dma_wait3A_179 = tpu.memref_slice %arg2[%dma_wait3A_177, %dma_wait3A_178] : memref<100000x128xf32, #tpu.memory_space<hbm>> -> memref<100000x128xf32, #tpu.memory_space<hbm>>
    tpu.wait_indirect_dma semaphore(%arg12 : memref<!tpu.dma_semaphore, #tpu.memory_space<semaphore_mem>>) src(%dma_wait3A_179 : memref<100000x128xf32, #tpu.memory_space<hbm>>) dst(%arg8 : memref<80x128xf32, #tpu.memory_space<vmem>>)
    %add3A_180 = arith.constant 480 : i32
    %add3A_181 = arith.addi %mul3A_2, %add3A_180 : i32
    %dma_start3A_182 = arith.constant 0 : i32
    %dma_start3A_183 = tpu.memref_slice %arg4[%add3A_181, %dma_start3A_182] : memref<25600x128xf32, #tpu.memory_space<hbm>> -> memref<80x128xf32, #tpu.memory_space<hbm>>
    %dma_start3A_184 = arith.constant 0 : i32
    %dma_start3A_185 = tpu.memref_slice %arg4[%add3A_181, %dma_start3A_184] : memref<25600x128xf32, #tpu.memory_space<hbm>> -> memref<80x128xf32, #tpu.memory_space<hbm>>
    tpu.enqueue_dma source(%arg8 : memref<80x128xf32, #tpu.memory_space<vmem>>) target(%dma_start3A_185 : memref<80x128xf32, #tpu.memory_space<hbm>>) target_semaphore(%arg16 : memref<!tpu.dma_semaphore, #tpu.memory_space<semaphore_mem>>)
    %dma_wait3A_186 = arith.constant 7 : i32
    %dma_wait3A_187 = arith.constant 0 : i32
    %dma_wait3A_188 = tpu.memref_slice %arg5[%dma_wait3A_186, %dma_wait3A_187] : memref<10x80xi32, #tpu.memory_space<vmem>> -> memref<1x80xi32, #tpu.memory_space<vmem>>
    %dma_wait3A_189 = tpu.memref_squeeze %dma_wait3A_188 : memref<1x80xi32, #tpu.memory_space<vmem>> -> memref<80xi32, #tpu.memory_space<vmem>>
    %dma_wait3A_190 = arith.constant 0 : i32
    %dma_wait3A_191 = arith.constant 0 : i32
    %dma_wait3A_192 = tpu.memref_slice %arg2[%dma_wait3A_190, %dma_wait3A_191] : memref<100000x128xf32, #tpu.memory_space<hbm>> -> memref<100000x128xf32, #tpu.memory_space<hbm>>
    tpu.wait_indirect_dma semaphore(%arg13 : memref<!tpu.dma_semaphore, #tpu.memory_space<semaphore_mem>>) src(%dma_wait3A_192 : memref<100000x128xf32, #tpu.memory_space<hbm>>) dst(%arg9 : memref<80x128xf32, #tpu.memory_space<vmem>>)
    %add3A_193 = arith.constant 560 : i32
    %add3A_194 = arith.addi %mul3A_2, %add3A_193 : i32
    %dma_start3A_195 = arith.constant 0 : i32
    %dma_start3A_196 = tpu.memref_slice %arg4[%add3A_194, %dma_start3A_195] : memref<25600x128xf32, #tpu.memory_space<hbm>> -> memref<80x128xf32, #tpu.memory_space<hbm>>
    %dma_start3A_197 = arith.constant 0 : i32
    %dma_start3A_198 = tpu.memref_slice %arg4[%add3A_194, %dma_start3A_197] : memref<25600x128xf32, #tpu.memory_space<hbm>> -> memref<80x128xf32, #tpu.memory_space<hbm>>
    tpu.enqueue_dma source(%arg9 : memref<80x128xf32, #tpu.memory_space<vmem>>) target(%dma_start3A_198 : memref<80x128xf32, #tpu.memory_space<hbm>>) target_semaphore(%arg17 : memref<!tpu.dma_semaphore, #tpu.memory_space<semaphore_mem>>)
    %dma_wait3A_199 = arith.constant 8 : i32
    %dma_wait3A_200 = arith.constant 0 : i32
    %dma_wait3A_201 = tpu.memref_slice %arg5[%dma_wait3A_199, %dma_wait3A_200] : memref<10x80xi32, #tpu.memory_space<vmem>> -> memref<1x80xi32, #tpu.memory_space<vmem>>
    %dma_wait3A_202 = tpu.memref_squeeze %dma_wait3A_201 : memref<1x80xi32, #tpu.memory_space<vmem>> -> memref<80xi32, #tpu.memory_space<vmem>>
    %dma_wait3A_203 = arith.constant 0 : i32
    %dma_wait3A_204 = arith.constant 0 : i32
    %dma_wait3A_205 = tpu.memref_slice %arg2[%dma_wait3A_203, %dma_wait3A_204] : memref<100000x128xf32, #tpu.memory_space<hbm>> -> memref<100000x128xf32, #tpu.memory_space<hbm>>
    tpu.wait_indirect_dma semaphore(%arg10 : memref<!tpu.dma_semaphore, #tpu.memory_space<semaphore_mem>>) src(%dma_wait3A_205 : memref<100000x128xf32, #tpu.memory_space<hbm>>) dst(%arg6 : memref<80x128xf32, #tpu.memory_space<vmem>>)
    %add3A_206 = arith.constant 640 : i32
    %add3A_207 = arith.addi %mul3A_2, %add3A_206 : i32
    %dma_start3A_208 = arith.constant 0 : i32
    %dma_start3A_209 = tpu.memref_slice %arg4[%add3A_207, %dma_start3A_208] : memref<25600x128xf32, #tpu.memory_space<hbm>> -> memref<80x128xf32, #tpu.memory_space<hbm>>
    %dma_start3A_210 = arith.constant 0 : i32
    %dma_start3A_211 = tpu.memref_slice %arg4[%add3A_207, %dma_start3A_210] : memref<25600x128xf32, #tpu.memory_space<hbm>> -> memref<80x128xf32, #tpu.memory_space<hbm>>
    tpu.enqueue_dma source(%arg6 : memref<80x128xf32, #tpu.memory_space<vmem>>) target(%dma_start3A_211 : memref<80x128xf32, #tpu.memory_space<hbm>>) target_semaphore(%arg14 : memref<!tpu.dma_semaphore, #tpu.memory_space<semaphore_mem>>)
    %dma_wait3A_212 = arith.constant 9 : i32
    %dma_wait3A_213 = arith.constant 0 : i32
    %dma_wait3A_214 = tpu.memref_slice %arg5[%dma_wait3A_212, %dma_wait3A_213] : memref<10x80xi32, #tpu.memory_space<vmem>> -> memref<1x80xi32, #tpu.memory_space<vmem>>
    %dma_wait3A_215 = tpu.memref_squeeze %dma_wait3A_214 : memref<1x80xi32, #tpu.memory_space<vmem>> -> memref<80xi32, #tpu.memory_space<vmem>>
    %dma_wait3A_216 = arith.constant 0 : i32
    %dma_wait3A_217 = arith.constant 0 : i32
    %dma_wait3A_218 = tpu.memref_slice %arg2[%dma_wait3A_216, %dma_wait3A_217] : memref<100000x128xf32, #tpu.memory_space<hbm>> -> memref<100000x128xf32, #tpu.memory_space<hbm>>
    tpu.wait_indirect_dma semaphore(%arg11 : memref<!tpu.dma_semaphore, #tpu.memory_space<semaphore_mem>>) src(%dma_wait3A_218 : memref<100000x128xf32, #tpu.memory_space<hbm>>) dst(%arg7 : memref<80x128xf32, #tpu.memory_space<vmem>>)
    %add3A_219 = arith.constant 720 : i32
    %add3A_220 = arith.addi %mul3A_2, %add3A_219 : i32
    %dma_start3A_221 = arith.constant 0 : i32
    %dma_start3A_222 = tpu.memref_slice %arg4[%add3A_220, %dma_start3A_221] : memref<25600x128xf32, #tpu.memory_space<hbm>> -> memref<80x128xf32, #tpu.memory_space<hbm>>
    %dma_start3A_223 = arith.constant 0 : i32
    %dma_start3A_224 = tpu.memref_slice %arg4[%add3A_220, %dma_start3A_223] : memref<25600x128xf32, #tpu.memory_space<hbm>> -> memref<80x128xf32, #tpu.memory_space<hbm>>
    tpu.enqueue_dma source(%arg7 : memref<80x128xf32, #tpu.memory_space<vmem>>) target(%dma_start3A_224 : memref<80x128xf32, #tpu.memory_space<hbm>>) target_semaphore(%arg15 : memref<!tpu.dma_semaphore, #tpu.memory_space<semaphore_mem>>)
    %dma_wait3A_225 = arith.constant 0 : i32
    %dma_wait3A_226 = tpu.memref_slice %arg4[%add3A_181, %dma_wait3A_225] : memref<25600x128xf32, #tpu.memory_space<hbm>> -> memref<80x128xf32, #tpu.memory_space<hbm>>
    %dma_wait3A_227 = arith.constant 0 : i32
    %dma_wait3A_228 = tpu.memref_slice %arg4[%add3A_181, %dma_wait3A_227] : memref<25600x128xf32, #tpu.memory_space<hbm>> -> memref<80x128xf32, #tpu.memory_space<hbm>>
    tpu.wait_dma2 semaphore(%arg16 : memref<!tpu.dma_semaphore, #tpu.memory_space<semaphore_mem>>) src(%arg8 : memref<80x128xf32, #tpu.memory_space<vmem>>) dst(%dma_wait3A_228 : memref<80x128xf32, #tpu.memory_space<hbm>>)
    %dma_wait3A_229 = arith.constant 0 : i32
    %dma_wait3A_230 = tpu.memref_slice %arg4[%add3A_194, %dma_wait3A_229] : memref<25600x128xf32, #tpu.memory_space<hbm>> -> memref<80x128xf32, #tpu.memory_space<hbm>>
    %dma_wait3A_231 = arith.constant 0 : i32
    %dma_wait3A_232 = tpu.memref_slice %arg4[%add3A_194, %dma_wait3A_231] : memref<25600x128xf32, #tpu.memory_space<hbm>> -> memref<80x128xf32, #tpu.memory_space<hbm>>
    tpu.wait_dma2 semaphore(%arg17 : memref<!tpu.dma_semaphore, #tpu.memory_space<semaphore_mem>>) src(%arg9 : memref<80x128xf32, #tpu.memory_space<vmem>>) dst(%dma_wait3A_232 : memref<80x128xf32, #tpu.memory_space<hbm>>)
    %dma_wait3A_233 = arith.constant 0 : i32
    %dma_wait3A_234 = tpu.memref_slice %arg4[%add3A_207, %dma_wait3A_233] : memref<25600x128xf32, #tpu.memory_space<hbm>> -> memref<80x128xf32, #tpu.memory_space<hbm>>
    %dma_wait3A_235 = arith.constant 0 : i32
    %dma_wait3A_236 = tpu.memref_slice %arg4[%add3A_207, %dma_wait3A_235] : memref<25600x128xf32, #tpu.memory_space<hbm>> -> memref<80x128xf32, #tpu.memory_space<hbm>>
    tpu.wait_dma2 semaphore(%arg14 : memref<!tpu.dma_semaphore, #tpu.memory_space<semaphore_mem>>) src(%arg6 : memref<80x128xf32, #tpu.memory_space<vmem>>) dst(%dma_wait3A_236 : memref<80x128xf32, #tpu.memory_space<hbm>>)
    %dma_wait3A_237 = arith.constant 0 : i32
    %dma_wait3A_238 = tpu.memref_slice %arg4[%add3A_220, %dma_wait3A_237] : memref<25600x128xf32, #tpu.memory_space<hbm>> -> memref<80x128xf32, #tpu.memory_space<hbm>>
    %dma_wait3A_239 = arith.constant 0 : i32
    %dma_wait3A_240 = tpu.memref_slice %arg4[%add3A_220, %dma_wait3A_239] : memref<25600x128xf32, #tpu.memory_space<hbm>> -> memref<80x128xf32, #tpu.memory_space<hbm>>
    tpu.wait_dma2 semaphore(%arg15 : memref<!tpu.dma_semaphore, #tpu.memory_space<semaphore_mem>>) src(%arg7 : memref<80x128xf32, #tpu.memory_space<vmem>>) dst(%dma_wait3A_240 : memref<80x128xf32, #tpu.memory_space<hbm>>)
    return
  }
}

module attributes {stable_mosaic.version = 14 : i64} {
  func.func @_tc_body_first(%arg0: i32, %arg1: memref<5120x128xf32, #tpu.memory_space<vmem>>, %arg2: memref<1x1x5120xi32, #tpu.memory_space<vmem>>, %arg3: memref<1x1x5120xi32, #tpu.memory_space<vmem>>, %arg4: memref<80x128xf32, #tpu.memory_space<vmem>>, %arg5: memref<5x1x128xf32, #tpu.memory_space<vmem>>, %arg6: memref<2x128xf32, #tpu.memory_space<vmem>>, %arg7: memref<1x128xf32, #tpu.memory_space<vmem>>, %arg8: memref<1x128xf32, #tpu.memory_space<vmem>>, %arg9: memref<5120x128xf32, #tpu.memory_space<vmem>>) attributes {dimension_semantics = [#tpu.dimension_semantics<arbitrary>], iteration_bounds = array<i64: 5>, scalar_prefetch = 0 : i64, scratch_operands = 0 : i64, tpu.core_type = #tpu.core_type<tc>, window_params = [{transform_indices = @transform_0, window_bounds = array<i64: 5120, 128>}, {transform_indices = @transform_1, window_bounds = array<i64: 1, 1, 5120>}, {transform_indices = @transform_2, window_bounds = array<i64: 1, 1, 5120>}, {pipeline_mode = #tpu.pipeline_mode<synchronous>, transform_indices = @transform_3, window_bounds = array<i64: 80, 128>}, {transform_indices = @transform_4, window_bounds = array<i64: 5, 1, 128>}, {pipeline_mode = #tpu.pipeline_mode<synchronous>, transform_indices = @transform_5, window_bounds = array<i64: 2, 128>}, {pipeline_mode = #tpu.pipeline_mode<synchronous>, transform_indices = @transform_6, window_bounds = array<i64: 1, 128>}, {pipeline_mode = #tpu.pipeline_mode<synchronous>, transform_indices = @transform_7, window_bounds = array<i64: 1, 128>}, {transform_indices = @transform_8, window_bounds = array<i64: 5120, 128>}]} {
    %get3A = arith.constant 0 : index
    %get3A_0 = arith.constant 0 : index
    %get3A_1 = vector.load %arg1[%get3A, %get3A_0] : memref<5120x128xf32, #tpu.memory_space<vmem>>, vector<5120x128xf32>
    %iota3A = tpu.iota {dimensions = array<i32: 0>} : vector<80x5120xi32>
    %get3A_2 = arith.constant 0 : index
    %get3A_3 = arith.constant 0 : index
    %get3A_4 = arith.constant 0 : index
    %get3A_5 = vector.load %arg2[%get3A_2, %get3A_3, %get3A_4] : memref<1x1x5120xi32, #tpu.memory_space<vmem>>, vector<1x1x5120xi32>
    %get3A_6 = vector.shape_cast %get3A_5 : vector<1x1x5120xi32> to vector<1x5120xi32>
    %eq3A = vector.broadcast %get3A_6 : vector<1x5120xi32> to vector<80x5120xi32>
    %eq3A_7 = arith.cmpi eq, %eq3A, %iota3A : vector<80x5120xi32>
    %get3A_8 = arith.constant 0 : index
    %get3A_9 = arith.constant 0 : index
    %get3A_10 = arith.constant 0 : index
    %get3A_11 = vector.load %arg3[%get3A_8, %get3A_9, %get3A_10] : memref<1x1x5120xi32, #tpu.memory_space<vmem>>, vector<1x1x5120xi32>
    %get3A_12 = vector.shape_cast %get3A_11 : vector<1x1x5120xi32> to vector<1x5120xi32>
    %eq3A_13 = vector.broadcast %get3A_12 : vector<1x5120xi32> to vector<80x5120xi32>
    %eq3A_14 = arith.cmpi eq, %eq3A_13, %iota3A : vector<80x5120xi32>
    %or3A = arith.ori %eq3A_7, %eq3A_14 : vector<80x5120xi1>
    %convert_element_type3A = arith.extui %or3A : vector<80x5120xi1> to vector<80x5120xi32>
    %convert_element_type3A_15 = arith.sitofp %convert_element_type3A : vector<80x5120xi32> to vector<80x5120xf32>
    %get3A_16 = arith.constant 0 : index
    %get3A_17 = arith.constant 0 : index
    %get3A_18 = vector.load %arg4[%get3A_16, %get3A_17] : memref<80x128xf32, #tpu.memory_space<vmem>>, vector<80x128xf32>
    %dot_general3A = arith.constant dense<0.000000e+00> : vector<5120x128xf32>
    %dot_general3A_19 = tpu.matmul %convert_element_type3A_15, %get3A_18, %dot_general3A {dimension_numbers = #tpu.dot_dimension_numbers<[0], [0], [1], [1], [0, 1, 1, 1], [], []>, transpose_lhs_hint = false} : vector<80x5120xf32>, vector<80x128xf32>, vector<5120x128xf32> -> vector<5120x128xf32>
    %add3A = arith.addf %get3A_1, %dot_general3A_19 : vector<5120x128xf32>
    %reshape3A = vector.shape_cast %add3A : vector<5120x128xf32> to vector<5x1024x128xf32>
    %get3A_20 = arith.constant 0 : index
    %get3A_21 = arith.constant 0 : index
    %get3A_22 = arith.constant 0 : index
    %get3A_23 = vector.load %arg5[%get3A_20, %get3A_21, %get3A_22] : memref<5x1x128xf32, #tpu.memory_space<vmem>>, vector<5x1x128xf32>
    %get3A_24 = arith.constant 0 : index
    %get3A_25 = arith.constant 0 : index
    %get3A_26 = vector.load %arg6[%get3A_24, %get3A_25] : memref<2x128xf32, #tpu.memory_space<vmem>>, vector<1x128xf32>
    %broadcast_in_dim3A = vector.shape_cast %get3A_26 : vector<1x128xf32> to vector<1x1x128xf32>
    %add3A_27 = vector.broadcast %broadcast_in_dim3A : vector<1x1x128xf32> to vector<5x1x128xf32>
    %add3A_28 = arith.addf %get3A_23, %add3A_27 : vector<5x1x128xf32>
    %add3A_29 = vector.broadcast %add3A_28 : vector<5x1x128xf32> to vector<5x1024x128xf32>
    %add3A_30 = arith.addf %reshape3A, %add3A_29 : vector<5x1024x128xf32>
    %reduce_sum3A = arith.constant dense<0.000000e+00> : vector<5x1024xf32>
    %reduce_sum3A_31 = vector.multi_reduction <add>, %add3A_30, %reduce_sum3A [2] : vector<5x1024x128xf32> to vector<5x1024xf32>
    %broadcast_in_dim3A_32 = vector.shape_cast %reduce_sum3A_31 : vector<5x1024xf32> to vector<5x1024x1xf32>
    %div3A = arith.constant 1.280000e+02 : f32
    %div3A_33 = vector.broadcast %div3A : f32 to vector<5x1024x1xf32>
    %div3A_34 = arith.divf %broadcast_in_dim3A_32, %div3A_33 : vector<5x1024x1xf32>
    %sub3A = vector.broadcast %div3A_34 : vector<5x1024x1xf32> to vector<5x1024x128xf32>
    %sub3A_35 = arith.subf %add3A_30, %sub3A : vector<5x1024x128xf32>
    %mul3A = arith.mulf %sub3A_35, %sub3A_35 : vector<5x1024x128xf32>
    %reduce_sum3A_36 = arith.constant dense<0.000000e+00> : vector<5x1024xf32>
    %reduce_sum3A_37 = vector.multi_reduction <add>, %mul3A, %reduce_sum3A_36 [2] : vector<5x1024x128xf32> to vector<5x1024xf32>
    %broadcast_in_dim3A_38 = vector.shape_cast %reduce_sum3A_37 : vector<5x1024xf32> to vector<5x1024x1xf32>
    %div3A_39 = arith.constant 1.280000e+02 : f32
    %div3A_40 = vector.broadcast %div3A_39 : f32 to vector<5x1024x1xf32>
    %div3A_41 = arith.divf %broadcast_in_dim3A_38, %div3A_40 : vector<5x1024x1xf32>
    %add3A_42 = arith.constant 9.99999996E-13 : f32
    %add3A_43 = vector.broadcast %add3A_42 : f32 to vector<5x1024x1xf32>
    %add3A_44 = arith.addf %div3A_41, %add3A_43 : vector<5x1024x1xf32>
    %rsqrt3A = math.rsqrt %add3A_44 : vector<5x1024x1xf32>
    %mul3A_45 = vector.broadcast %rsqrt3A : vector<5x1024x1xf32> to vector<5x1024x128xf32>
    %mul3A_46 = arith.mulf %sub3A_35, %mul3A_45 : vector<5x1024x128xf32>
    %get3A_47 = arith.constant 0 : index
    %get3A_48 = arith.constant 0 : index
    %get3A_49 = vector.load %arg7[%get3A_47, %get3A_48] : memref<1x128xf32, #tpu.memory_space<vmem>>, vector<1x128xf32>
    %broadcast_in_dim3A_50 = vector.shape_cast %get3A_49 : vector<1x128xf32> to vector<1x1x128xf32>
    %mul3A_51 = vector.broadcast %broadcast_in_dim3A_50 : vector<1x1x128xf32> to vector<5x1024x128xf32>
    %mul3A_52 = arith.mulf %mul3A_46, %mul3A_51 : vector<5x1024x128xf32>
    %get3A_53 = arith.constant 0 : index
    %get3A_54 = arith.constant 0 : index
    %get3A_55 = vector.load %arg8[%get3A_53, %get3A_54] : memref<1x128xf32, #tpu.memory_space<vmem>>, vector<1x128xf32>
    %broadcast_in_dim3A_56 = vector.shape_cast %get3A_55 : vector<1x128xf32> to vector<1x1x128xf32>
    %add3A_57 = vector.broadcast %broadcast_in_dim3A_56 : vector<1x1x128xf32> to vector<5x1024x128xf32>
    %add3A_58 = arith.addf %mul3A_52, %add3A_57 : vector<5x1024x128xf32>
    %reshape3A_59 = vector.shape_cast %add3A_58 : vector<5x1024x128xf32> to vector<5120x128xf32>
    %swap3A = arith.constant 0 : index
    %swap3A_60 = arith.constant 0 : index
    %swap3A_61 = vector.load %arg9[%swap3A, %swap3A_60] : memref<5120x128xf32, #tpu.memory_space<vmem>>, vector<5120x128xf32>
    tpu.vector_store %arg9[%swap3A, %swap3A_60], %reshape3A_59 {strides = array<i32>} : memref<5120x128xf32, #tpu.memory_space<vmem>>, vector<5120x128xf32>,
    return
  }
  func.func @transform_0(%arg0: i32) -> (i32, i32) {
    %c0_i32 = arith.constant 0 : i32
    %c0_i32_0 = arith.constant 0 : i32
    return %arg0, %c0_i32 : i32, i32
  }
  func.func @transform_1(%arg0: i32) -> (i32, i32, i32) {
    %c0_i32 = arith.constant 0 : i32
    %c0_i32_0 = arith.constant 0 : i32
    %c0_i32_1 = arith.constant 0 : i32
    return %arg0, %c0_i32, %c0_i32_0 : i32, i32, i32
  }
  func.func @transform_2(%arg0: i32) -> (i32, i32, i32) {
    %c0_i32 = arith.constant 0 : i32
    %c0_i32_0 = arith.constant 0 : i32
    %c0_i32_1 = arith.constant 0 : i32
    return %arg0, %c0_i32, %c0_i32_0 : i32, i32, i32
  }
  func.func @transform_3(%arg0: i32) -> (i32, i32) {
    %c0_i32 = arith.constant 0 : i32
    %c0_i32_0 = arith.constant 0 : i32
    %c0_i32_1 = arith.constant 0 : i32
    return %c0_i32, %c0_i32_0 : i32, i32
  }
  func.func @transform_4(%arg0: i32) -> (i32, i32, i32) {
    %add3A = arith.constant 0 : i32
    %add3A_0 = arith.addi %arg0, %add3A : i32
    %c0_i32 = arith.constant 0 : i32
    %c0_i32_1 = arith.constant 0 : i32
    %c0_i32_2 = arith.constant 0 : i32
    return %add3A_0, %c0_i32, %c0_i32_1 : i32, i32, i32
  }
  func.func @transform_5(%arg0: i32) -> (i32, i32) {
    %c0_i32 = arith.constant 0 : i32
    %c0_i32_0 = arith.constant 0 : i32
    %c0_i32_1 = arith.constant 0 : i32
    return %c0_i32, %c0_i32_0 : i32, i32
  }
  func.func @transform_6(%arg0: i32) -> (i32, i32) {
    %c0_i32 = arith.constant 0 : i32
    %c0_i32_0 = arith.constant 0 : i32
    %c0_i32_1 = arith.constant 0 : i32
    return %c0_i32, %c0_i32_0 : i32, i32
  }
  func.func @transform_7(%arg0: i32) -> (i32, i32) {
    %c0_i32 = arith.constant 0 : i32
    %c0_i32_0 = arith.constant 0 : i32
    %c0_i32_1 = arith.constant 0 : i32
    return %c0_i32, %c0_i32_0 : i32, i32
  }
  func.func @transform_8(%arg0: i32) -> (i32, i32) {
    %add3A = arith.constant 0 : i32
    %add3A_0 = arith.addi %arg0, %add3A : i32
    %c0_i32 = arith.constant 0 : i32
    %c0_i32_1 = arith.constant 0 : i32
    return %add3A_0, %c0_i32 : i32, i32
  }
}

module attributes {stable_mosaic.version = 14 : i64} {
  func.func @_tc_body_acc(%arg0: i32, %arg1: memref<51200x128xf32, #tpu.memory_space<any>>, %arg2: memref<5120x128xf32, #tpu.memory_space<vmem>>, %arg3: memref<1x1x5120xi32, #tpu.memory_space<vmem>>, %arg4: memref<1x1x5120xi32, #tpu.memory_space<vmem>>, %arg5: memref<80x128xf32, #tpu.memory_space<vmem>>, %arg6: memref<5x1x128xf32, #tpu.memory_space<vmem>>, %arg7: memref<2x128xf32, #tpu.memory_space<vmem>>, %arg8: memref<1x128xf32, #tpu.memory_space<vmem>>, %arg9: memref<1x128xf32, #tpu.memory_space<vmem>>, %arg10: memref<5120x128xf32, #tpu.memory_space<vmem>>) attributes {dimension_semantics = [#tpu.dimension_semantics<arbitrary>], iteration_bounds = array<i64: 5>, scalar_prefetch = 0 : i64, scratch_operands = 0 : i64, tpu.core_type = #tpu.core_type<tc>, window_params = [{}, {transform_indices = @transform_1, window_bounds = array<i64: 5120, 128>}, {transform_indices = @transform_2, window_bounds = array<i64: 1, 1, 5120>}, {transform_indices = @transform_3, window_bounds = array<i64: 1, 1, 5120>}, {pipeline_mode = #tpu.pipeline_mode<synchronous>, transform_indices = @transform_4, window_bounds = array<i64: 80, 128>}, {transform_indices = @transform_5, window_bounds = array<i64: 5, 1, 128>}, {pipeline_mode = #tpu.pipeline_mode<synchronous>, transform_indices = @transform_6, window_bounds = array<i64: 2, 128>}, {pipeline_mode = #tpu.pipeline_mode<synchronous>, transform_indices = @transform_7, window_bounds = array<i64: 1, 128>}, {pipeline_mode = #tpu.pipeline_mode<synchronous>, transform_indices = @transform_8, window_bounds = array<i64: 1, 128>}, {transform_indices = @transform_9, window_bounds = array<i64: 5120, 128>}]} {
    %get3A = arith.constant 0 : index
    %get3A_0 = arith.constant 0 : index
    %get3A_1 = vector.load %arg2[%get3A, %get3A_0] : memref<5120x128xf32, #tpu.memory_space<vmem>>, vector<5120x128xf32>
    %iota3A = tpu.iota {dimensions = array<i32: 0>} : vector<80x5120xi32>
    %get3A_2 = arith.constant 0 : index
    %get3A_3 = arith.constant 0 : index
    %get3A_4 = arith.constant 0 : index
    %get3A_5 = vector.load %arg3[%get3A_2, %get3A_3, %get3A_4] : memref<1x1x5120xi32, #tpu.memory_space<vmem>>, vector<1x1x5120xi32>
    %get3A_6 = vector.shape_cast %get3A_5 : vector<1x1x5120xi32> to vector<1x5120xi32>
    %eq3A = vector.broadcast %get3A_6 : vector<1x5120xi32> to vector<80x5120xi32>
    %eq3A_7 = arith.cmpi eq, %eq3A, %iota3A : vector<80x5120xi32>
    %get3A_8 = arith.constant 0 : index
    %get3A_9 = arith.constant 0 : index
    %get3A_10 = arith.constant 0 : index
    %get3A_11 = vector.load %arg4[%get3A_8, %get3A_9, %get3A_10] : memref<1x1x5120xi32, #tpu.memory_space<vmem>>, vector<1x1x5120xi32>
    %get3A_12 = vector.shape_cast %get3A_11 : vector<1x1x5120xi32> to vector<1x5120xi32>
    %eq3A_13 = vector.broadcast %get3A_12 : vector<1x5120xi32> to vector<80x5120xi32>
    %eq3A_14 = arith.cmpi eq, %eq3A_13, %iota3A : vector<80x5120xi32>
    %or3A = arith.ori %eq3A_7, %eq3A_14 : vector<80x5120xi1>
    %convert_element_type3A = arith.extui %or3A : vector<80x5120xi1> to vector<80x5120xi32>
    %convert_element_type3A_15 = arith.sitofp %convert_element_type3A : vector<80x5120xi32> to vector<80x5120xf32>
    %get3A_16 = arith.constant 0 : index
    %get3A_17 = arith.constant 0 : index
    %get3A_18 = vector.load %arg5[%get3A_16, %get3A_17] : memref<80x128xf32, #tpu.memory_space<vmem>>, vector<80x128xf32>
    %dot_general3A = arith.constant dense<0.000000e+00> : vector<5120x128xf32>
    %dot_general3A_19 = tpu.matmul %convert_element_type3A_15, %get3A_18, %dot_general3A {dimension_numbers = #tpu.dot_dimension_numbers<[0], [0], [1], [1], [0, 1, 1, 1], [], []>, transpose_lhs_hint = false} : vector<80x5120xf32>, vector<80x128xf32>, vector<5120x128xf32> -> vector<5120x128xf32>
    %add3A = arith.addf %get3A_1, %dot_general3A_19 : vector<5120x128xf32>
    %reshape3A = vector.shape_cast %add3A : vector<5120x128xf32> to vector<5x1024x128xf32>
    %get3A_20 = arith.constant 0 : index
    %get3A_21 = arith.constant 0 : index
    %get3A_22 = arith.constant 0 : index
    %get3A_23 = vector.load %arg6[%get3A_20, %get3A_21, %get3A_22] : memref<5x1x128xf32, #tpu.memory_space<vmem>>, vector<5x1x128xf32>
    %get3A_24 = arith.constant 0 : index
    %get3A_25 = arith.constant 0 : index
    %get3A_26 = vector.load %arg7[%get3A_24, %get3A_25] : memref<2x128xf32, #tpu.memory_space<vmem>>, vector<1x128xf32>
    %broadcast_in_dim3A = vector.shape_cast %get3A_26 : vector<1x128xf32> to vector<1x1x128xf32>
    %add3A_27 = vector.broadcast %broadcast_in_dim3A : vector<1x1x128xf32> to vector<5x1x128xf32>
    %add3A_28 = arith.addf %get3A_23, %add3A_27 : vector<5x1x128xf32>
    %add3A_29 = vector.broadcast %add3A_28 : vector<5x1x128xf32> to vector<5x1024x128xf32>
    %add3A_30 = arith.addf %reshape3A, %add3A_29 : vector<5x1024x128xf32>
    %reduce_sum3A = arith.constant dense<0.000000e+00> : vector<5x1024xf32>
    %reduce_sum3A_31 = vector.multi_reduction <add>, %add3A_30, %reduce_sum3A [2] : vector<5x1024x128xf32> to vector<5x1024xf32>
    %broadcast_in_dim3A_32 = vector.shape_cast %reduce_sum3A_31 : vector<5x1024xf32> to vector<5x1024x1xf32>
    %div3A = arith.constant 1.280000e+02 : f32
    %div3A_33 = vector.broadcast %div3A : f32 to vector<5x1024x1xf32>
    %div3A_34 = arith.divf %broadcast_in_dim3A_32, %div3A_33 : vector<5x1024x1xf32>
    %sub3A = vector.broadcast %div3A_34 : vector<5x1024x1xf32> to vector<5x1024x128xf32>
    %sub3A_35 = arith.subf %add3A_30, %sub3A : vector<5x1024x128xf32>
    %mul3A = arith.mulf %sub3A_35, %sub3A_35 : vector<5x1024x128xf32>
    %reduce_sum3A_36 = arith.constant dense<0.000000e+00> : vector<5x1024xf32>
    %reduce_sum3A_37 = vector.multi_reduction <add>, %mul3A, %reduce_sum3A_36 [2] : vector<5x1024x128xf32> to vector<5x1024xf32>
    %broadcast_in_dim3A_38 = vector.shape_cast %reduce_sum3A_37 : vector<5x1024xf32> to vector<5x1024x1xf32>
    %div3A_39 = arith.constant 1.280000e+02 : f32
    %div3A_40 = vector.broadcast %div3A_39 : f32 to vector<5x1024x1xf32>
    %div3A_41 = arith.divf %broadcast_in_dim3A_38, %div3A_40 : vector<5x1024x1xf32>
    %add3A_42 = arith.constant 9.99999996E-13 : f32
    %add3A_43 = vector.broadcast %add3A_42 : f32 to vector<5x1024x1xf32>
    %add3A_44 = arith.addf %div3A_41, %add3A_43 : vector<5x1024x1xf32>
    %rsqrt3A = math.rsqrt %add3A_44 : vector<5x1024x1xf32>
    %mul3A_45 = vector.broadcast %rsqrt3A : vector<5x1024x1xf32> to vector<5x1024x128xf32>
    %mul3A_46 = arith.mulf %sub3A_35, %mul3A_45 : vector<5x1024x128xf32>
    %get3A_47 = arith.constant 0 : index
    %get3A_48 = arith.constant 0 : index
    %get3A_49 = vector.load %arg8[%get3A_47, %get3A_48] : memref<1x128xf32, #tpu.memory_space<vmem>>, vector<1x128xf32>
    %broadcast_in_dim3A_50 = vector.shape_cast %get3A_49 : vector<1x128xf32> to vector<1x1x128xf32>
    %mul3A_51 = vector.broadcast %broadcast_in_dim3A_50 : vector<1x1x128xf32> to vector<5x1024x128xf32>
    %mul3A_52 = arith.mulf %mul3A_46, %mul3A_51 : vector<5x1024x128xf32>
    %get3A_53 = arith.constant 0 : index
    %get3A_54 = arith.constant 0 : index
    %get3A_55 = vector.load %arg9[%get3A_53, %get3A_54] : memref<1x128xf32, #tpu.memory_space<vmem>>, vector<1x128xf32>
    %broadcast_in_dim3A_56 = vector.shape_cast %get3A_55 : vector<1x128xf32> to vector<1x1x128xf32>
    %add3A_57 = vector.broadcast %broadcast_in_dim3A_56 : vector<1x1x128xf32> to vector<5x1024x128xf32>
    %add3A_58 = arith.addf %mul3A_52, %add3A_57 : vector<5x1024x128xf32>
    %reshape3A_59 = vector.shape_cast %add3A_58 : vector<5x1024x128xf32> to vector<5120x128xf32>
    %swap3A = arith.constant 0 : index
    %swap3A_60 = arith.constant 0 : index
    %swap3A_61 = vector.load %arg10[%swap3A, %swap3A_60] : memref<5120x128xf32, #tpu.memory_space<vmem>>, vector<5120x128xf32>
    tpu.vector_store %arg10[%swap3A, %swap3A_60], %reshape3A_59 {strides = array<i32>} : memref<5120x128xf32, #tpu.memory_space<vmem>>, vector<5120x128xf32>,
    return
  }
  func.func @transform_1(%arg0: i32) -> (i32, i32) {
    %c0_i32 = arith.constant 0 : i32
    %c0_i32_0 = arith.constant 0 : i32
    return %arg0, %c0_i32 : i32, i32
  }
  func.func @transform_2(%arg0: i32) -> (i32, i32, i32) {
    %c0_i32 = arith.constant 0 : i32
    %c0_i32_0 = arith.constant 0 : i32
    %c0_i32_1 = arith.constant 0 : i32
    return %arg0, %c0_i32, %c0_i32_0 : i32, i32, i32
  }
  func.func @transform_3(%arg0: i32) -> (i32, i32, i32) {
    %c0_i32 = arith.constant 0 : i32
    %c0_i32_0 = arith.constant 0 : i32
    %c0_i32_1 = arith.constant 0 : i32
    return %arg0, %c0_i32, %c0_i32_0 : i32, i32, i32
  }
  func.func @transform_4(%arg0: i32) -> (i32, i32) {
    %c0_i32 = arith.constant 0 : i32
    %c0_i32_0 = arith.constant 0 : i32
    %c0_i32_1 = arith.constant 0 : i32
    return %c0_i32, %c0_i32_0 : i32, i32
  }
  func.func @transform_5(%arg0: i32) -> (i32, i32, i32) {
    %add3A = arith.constant 5 : i32
    %add3A_0 = arith.addi %arg0, %add3A : i32
    %c0_i32 = arith.constant 0 : i32
    %c0_i32_1 = arith.constant 0 : i32
    %c0_i32_2 = arith.constant 0 : i32
    return %add3A_0, %c0_i32, %c0_i32_1 : i32, i32, i32
  }
  func.func @transform_6(%arg0: i32) -> (i32, i32) {
    %c0_i32 = arith.constant 0 : i32
    %c0_i32_0 = arith.constant 0 : i32
    %c0_i32_1 = arith.constant 0 : i32
    return %c0_i32, %c0_i32_0 : i32, i32
  }
  func.func @transform_7(%arg0: i32) -> (i32, i32) {
    %c0_i32 = arith.constant 0 : i32
    %c0_i32_0 = arith.constant 0 : i32
    %c0_i32_1 = arith.constant 0 : i32
    return %c0_i32, %c0_i32_0 : i32, i32
  }
  func.func @transform_8(%arg0: i32) -> (i32, i32) {
    %c0_i32 = arith.constant 0 : i32
    %c0_i32_0 = arith.constant 0 : i32
    %c0_i32_1 = arith.constant 0 : i32
    return %c0_i32, %c0_i32_0 : i32, i32
  }
  func.func @transform_9(%arg0: i32) -> (i32, i32) {
    %add3A = arith.constant 5 : i32
    %add3A_0 = arith.addi %arg0, %add3A : i32
    %c0_i32 = arith.constant 0 : i32
    %c0_i32_1 = arith.constant 0 : i32
    return %add3A_0, %c0_i32 : i32, i32
  }
}

</mosaic_0001>

<sc_bundles>
// kernel: kernel.6.cloned.1.call-start
scs
__scs_entry_jumppad:
0x0: {  	(pc) =	sbr.rel $0x88, $3  }
0x1: {  	(tag) =	ssettag $0x0;
	lr =	simm.s32 $0x1  }
0x2: {  	[smem:$0x3F97] =	sst lr;
	_ =	strace $0xD0000000  }
0x3: {  	_ = 	snop  }
0x4: {  	_ = 	snop  }
0x5: {  	_ = 	snop  }
0x6: {  	_ = 	snop  }
0x7: {  	_ = 	snop  }
__scs_overlays_trampoline_lowered:
0x8: {  	[smem:$0x3FA6] =	sst s0  }
0x9: {  	[smem:$0x3FA7] =	sst s1  }
0xa: {  	[smem:$0x3FA8] =	sst s2  }
0xb: {  	[smem:$0x3FA9] =	sst s3  }
0xc: {  	[smem:$0x3FAA] =	sst s4  }
0xd: {  	[smem:$0x3FAB] =	sst s5  }
0xe: {  	[smem:$0x3FAC] =	sst s6  }
0xf: {  	[smem:$0x3FAD] =	sst s7  }
0x10: {  	[smem:$0x3FAE] =	sst s8  }
0x11: {  	[smem:$0x3FAF] =	sst s9;
	s0 =	simm.s32 @!p0 $0x0  }
0x12: {  	s1 =	sld [smem:$0x3F95];
	s0 =	simm.s32 @p0 $0x1  }
0x13: {  	[smem:$0x3FB0] =	sst s0;
	s0 =	simm.s32 @!p1 $0x0  }
0x14: {  	s2 =	sld [smem:$0x3F94];
	s0 =	simm.s32 @p1 $0x1  }
0x15: {  	[smem:$0x3FB1] =	sst s0;
	s0 =	simm.s32 @!p2 $0x0  }
0x16: {  	s3 =	sld [smem:$0x3FDB];
	s0 =	simm.s32 @p2 $0x1  }
0x17: {  	s4 =	simm.s32 $0x1BF5;
	[smem:$0x3FB3] =	sst s0  }
0x18: {  	s0 =	sld [smem:$0x3F96];
	_ =	swait.ge [sflag:s4], $0x0  }
0x19: {  	s7 =	sld [smem:$0x3F97]  }
0x1a: {  	s8 =	sadd.s32 $0xFFFFE003, lr  }
0x1b: {  	s9 =	sadd.s32 $0xFFFFFEF7, lr;
	s5 =	simm.s32 $0xFFFFFFFF;
	p2 =	slt.u32 s8, $0xFFFFF086  }
0x1c: {  	p1 =	slt.u32 s9, $0xF7A;
	s5 =	simm.s32 @!p2 $0x0  }
0x1d: {  	s5 =	simm.s32 @p1 $0x1;
	p0 =	seq.s32 s7, s2  }
0x1e: {  	s7 =	smul.u32 @!p0 $0xF7A, s2;
	p2 =	seq.s32 @!p0 s5, $0x0  }
0x1f: {  	s9 =	smul.u32 $0xF7A, s1;
	s8 =	simm.s32 @!p0 $0x1BF5;
	p2 =	por !p2, p0  }
0x20: {  	[sflag:s8] =	ssyncset.s32 @!p0 $0xFFFFF086;
	s6 =	sadd.s32 @!p0 s3, s7;
	s7 =	simm.s32 @!p0 $0x108  }
0x21: {  	s3 =	sadd.s32 s3, s9;
	s6 =	sadd.s32 @!p0 $0x88, s6;
	s7 =	simm.s32 @p2 $0x1082  }
0x22: {  	[simem:s7], [sflag:s8] =	dma.local @!p0 [hbm:s6], $0xF7A  }
0x23: {  	s9 =	sor.u32 $0xD0000000, s2;
	s6 =	simm.s32 $0x108;
	_ =	swait.ge @!p0 [sflag:s8], $0x0  }
0x24: {  	s3 =	sadd.s32 $0x88, s3;
	s6 =	simm.s32 @!p1 $0x1082;
	[sflag:s4] =	ssyncset.s32 $0xFFFFF086  }
0x25: {  	[simem:s6], [sflag:s4] =	dma.local [hbm:s3], $0xF7A  }
0x26: {  	[smem:$0x3F97] =	sst s1;
	(tag) =	ssettag s2;
	_ =	strace s9  }
0x27: {  	s1 =	sld [smem:$0x3FA7]  }
0x28: {  	s2 =	sld [smem:$0x3FA8]  }
0x29: {  	s4 =	sld [smem:$0x3FAA]  }
0x2a: {  	p0 =	seq.s32 s5, $0x0;
	s5 =	sld [smem:$0x3FAB]  }
0x2b: {  	s6 =	sld [smem:$0x3FAC]  }
0x2c: {  	s7 =	sld [smem:$0x3FAD]  }
0x2d: {  	s3 =	simm.s32 $0x108;
	s8 =	sld [smem:$0x3FAE]  }
0x2e: {  	s3 =	simm.s32 @!p0 $0x1082;
	s9 =	sld [smem:$0x3FAF]  }
0x2f: {  	lr =	sadd.s32 s0, s3;
	s0 =	sld [smem:$0x3FA6]  }
0x30: {  	s3 =	sld [smem:$0x3FA9]  }
0x31: {  	[smem:$0x3FB2] =	sst s10  }
0x32: {  	s10 =	sld [smem:$0x3FB0];
	_ =	sdelay $0x3  }
0x33: {  	p0 =	seq.s32 s10, $0x1;
	s10 =	sld [smem:$0x3FB2];
	_ =	sdelay $0x3  }
0x34: {  	[smem:$0x3FB2] =	sst s10  }
0x35: {  	s10 =	sld [smem:$0x3FB1];
	_ =	sdelay $0x3  }
0x36: {  	p1 =	seq.s32 s10, $0x1;
	s10 =	sld [smem:$0x3FB2];
	_ =	sdelay $0x3  }
0x37: {  	[smem:$0x3FB2] =	sst s10  }
0x38: {  	s10 =	sld [smem:$0x3FB3]  }
0x39: {  	_ = 	snop;
	(pc) =	sbr.ind lr, $3  }
0x3a: {  	_ = 	snop  }
0x3b: {  	_ = 	snop  }
0x3c: {  	p2 =	seq.s32 s10, $0x1;
	s10 =	sld [smem:$0x3FB2]  }
0x3d: {  	_ =	shalt  }
0x3e: {  	_ =	shalt  }
0x3f: {  	_ =	shalt  }
0x40: {  	_ =	shalt  }
0x41: {  	_ =	shalt  }
0x42: {  	_ =	shalt  }
0x43: {  	_ =	shalt  }
0x44: {  	_ =	shalt  }
0x45: {  	_ =	shalt  }
0x46: {  	_ =	shalt  }
0x47: {  	_ =	shalt  }
0x48: {  	_ =	shalt  }
0x49: {  	_ =	shalt  }
0x4a: {  	_ =	shalt  }
0x4b: {  	_ =	shalt  }
0x4c: {  	_ =	shalt  }
0x4d: {  	_ =	shalt  }
0x4e: {  	_ =	shalt  }
0x4f: {  	_ =	shalt  }
0x50: {  	_ =	shalt  }
0x51: {  	_ =	shalt  }
0x52: {  	_ =	shalt  }
0x53: {  	_ =	shalt  }
0x54: {  	_ =	shalt  }
0x55: {  	_ =	shalt  }
0x56: {  	_ =	shalt  }
0x57: {  	_ =	shalt  }
0x58: {  	_ =	shalt  }
0x59: {  	_ =	shalt  }
0x5a: {  	_ =	shalt  }
0x5b: {  	_ =	shalt  }
0x5c: {  	_ =	shalt  }
0x5d: {  	_ =	shalt  }
0x5e: {  	_ =	shalt  }
0x5f: {  	_ =	shalt  }
0x60: {  	_ =	shalt  }
0x61: {  	_ =	shalt  }
0x62: {  	_ =	shalt  }
0x63: {  	_ =	shalt  }
0x64: {  	_ =	shalt  }
0x65: {  	_ =	shalt  }
0x66: {  	_ =	shalt  }
0x67: {  	_ =	shalt  }
0x68: {  	_ =	shalt  }
0x69: {  	_ =	shalt  }
0x6a: {  	_ =	shalt  }
0x6b: {  	_ =	shalt  }
0x6c: {  	_ =	shalt  }
0x6d: {  	_ =	shalt  }
0x6e: {  	_ =	shalt  }
0x6f: {  	_ =	shalt  }
0x70: {  	_ =	shalt  }
0x71: {  	_ =	shalt  }
0x72: {  	_ =	shalt  }
0x73: {  	_ =	shalt  }
0x74: {  	_ =	shalt  }
0x75: {  	_ =	shalt  }
0x76: {  	_ =	shalt  }
0x77: {  	_ =	shalt  }
0x78: {  	_ =	shalt  }
0x79: {  	_ =	shalt  }
0x7a: {  	_ =	shalt  }
0x7b: {  	_ =	shalt  }
0x7c: {  	_ =	shalt  }
0x7d: {  	_ =	shalt  }
0x7e: {  	_ =	shalt  }
0x7f: {  	_ =	shalt  }
0x80: {  	_ =	shalt  }
0x81: {  	_ =	shalt  }
0x82: {  	_ =	shalt  }
0x83: {  	_ =	shalt  }
0x84: {  	_ =	shalt  }
0x85: {  	_ =	shalt  }
0x86: {  	_ =	shalt  }
0x87: {  	_ =	shalt  }
.Lfunc_end0:
.L_simem_size_0:
called_computation_lowered:
.L_overlay_start_0:
0x88: {  	s2 =	sld [smem:$0x3FD9]  }
0x89: {  	s3 =	sld [smem:$0x3FFE];
	_ =	sdelay $0x1  }
0x8a: {  	s1 =	srdreg.scid  }
0x8b: {  	s0 =	sand.u32 $0x1, s1  }
0x8c: {  	s17 =	sshll.u32 s0, $0xA;
	s2 =	sadd.s32 s3, s2  }
0x8d: {  	s2 =	sadd.s32 s2, s17  }
0x8e: {  	[smem:$0x3FBE] =	sst s2  }
0x8f: {  	_ = 	snop  }
0x90: {  	s2 =	sld [smem:$0x3FC6]  }
0x91: {  	s18 =	sld [smem:$0x3FD0];
	(tm) =	ssettm $0x1  }
0x92: {  	s4 =	sld [smem:$0x3FFB];
	_ =	sdelay $0x3  }
0x93: {  	_ =	strace s4  }
0x94: {  	s4 =	sld [smem:$0x3FFC];
	_ =	sdelay $0x3  }
0x95: {  	_ =	strace s4  }
0x96: {  	s4 =	sld [smem:$0x3FFD];
	_ =	sdelay $0x3  }
0x97: {  	_ =	strace s4  }
0x98: {  	_ =	strace $0x8FFFFFFF  }
0x99: {  	s19 =	sld [smem:$0x3FDB];
	_ =	sdelay $0x1  }
0x9a: {  	s5 =	simm.s32 $_scs_section_size  }
0x9b: {  	s6 =	simm.s32 $_size__tile_overlayer_lowered;
	s7 =	simm.s32 $_tile_overlayer_lowered  }
0x9c: {  	s22 =	simm.s32 $0x1BFF;
	s21 =	sshll.u32 s7, $0x1;
	s4 =	sadd.s32 s5, s19  }
0x9d: {  	s8 =	simm.s32 $0x0;
	s20 =	sshll.u32 s6, $0x1;
	s6 =	sadd.s32 s21, s4  }
0x9e: {  	[timem:s8], [sflag:s22] =	dma.local [hbm:s6], s20  }
0x9f: {  	_ =	swait.ge [sflag:s22], s20  }
0xa0: {  	s5 =	ssub.s32 $0x0, s20;
	[sflag:s22] =	ssyncset.done $0x0  }
0xa1: {  	[sflag:s22] =	ssyncadd.s32 s5;
	_ =	sdelay $0x1  }
0xa2: {  	s23 =	simm.s32 $0x1B8B  }
0xa3: {  	_ =	swait.ge [sflag:s23], $0x1  }
0xa4: {  	[sflag:s23] =	ssyncset.done $0x0  }
0xa5: {  	s25 =	simm.s32 $0x1B8E;
	s24 =	sld [smem:$0x3FFE];
	[sflag:s23] =	ssyncadd.s32 $0xFFFFFFFF  }
0xa6: {  	s26 =	simm.s32 $execute0_lowered;
	[smem:$0x3FD2] =	sst s25  }
0xa7: {  	s6 =	sshll.u32 s26, $0x1;
	_ =	strace $0x80000046;
	[dreg:$0x1] =	wrdreg $0xFFFFFFFF  }
0xa8: {  	s28 =	simm.s32 $_size_execute0_lowered;
	s4 =	sadd.s32 s4, s6;
	[dreg:$0x0] =	wrdreg $0x0  }
0xa9: {  	s6 =	sshll.u32 s28, $0x1;
	[dreg:$0x2] =	wrdreg s4  }
0xaa: {  	[dreg:$0x3] =	wrdreg s6  }
0xab: {  	[dreg:$0x4] =	wrdreg $0xC0  }
0xac: {  	_ =	task [dreg:s8], $0x5FFFF  }
0xad: {  	[dreg:$0x1] =	wrdreg $0xFFFFFFFF  }
0xae: {  	[dreg:$0x0] =	wrdreg $0x60  }
0xaf: {  	[dreg:$0x2] =	wrdreg s2  }
0xb0: {  	[dreg:$0x3] =	wrdreg s24  }
0xb1: {  	[dreg:$0x4] =	wrdreg s18  }
0xb2: {  	[dreg:$0x5] =	wrdreg $0x9  }
0xb3: {  	_ =	task.clear_ibuf [dreg:s8], $0x6FFFF;
	_ =	strace $0x90000046  }
0xb4: {  	s29 =	simm.s32 $0x9;
	_ =	strace $0x80000048  }
0xb5: {  	_ =	swait.ge [sflag:s29], $0x1  }
0xb6: {  	[sflag:s29] =	ssyncadd.s32 $0xFFFFFFFF  }
0xb7: {  	_ =	strace $0x90000048  }
0xb8: {  	_ =	sfence  }
0xb9: {  	s30 =	sld [smem:$0x0];
	_ =	sdelay $0x2  }
0xba: {  	s31 =	sshll.u32 s1, $0xD;
	s1 =	sshrl.u32 s1, $0x2  }
0xbb: {  	s3 =	sand.u32 $0x4000, s31;
	s1 =	sadd.s32 s1, s30  }
0xbc: {  	s0 =	sor.u32 s3, s0;
	s1 =	sshll.u32 s1, $0x11  }
0xbd: {  	s0 =	sor.u32 s1, s0  }
0xbe: {  	s0 =	sadd.s32 $0x8F2B, s0  }
0xbf: {  	[sflag:s0] =	ssyncadd.remote.s32 $0x1  }
0xc0: {  	_ =	sfence.sel $0xFFFF  }
0xc1: {  	[dreg:$0x0] =	wrdreg $0xFFFFFFFF;
	(pc) =	sbr.abs _section_cstart, $3  }
0xc2: {  	[dreg:$0x1] =	wrdreg $0xFFFFFFFF  }
0xc3: {  	_ =	task.clear_ibuf [dreg:s8], $0x2FFFF;
	_ =	strace $0x9FFFFFFF  }
0xc4: {  	(tm) =	ssettm $0x7FFFFFFF  }
0xc5: {  	_ =	shalt  }
tec
execute0_lowered:
.L_overlay_start_1:
0x0: {  	(tag) =	ssettag $0x1  }
0x1: {  	s3 =	rddreg [dreg:$0x0]  }
0x2: {  	s0 =	rddreg [dreg:$0x1]  }
0x3: {  	s1 =	srdreg.scid;
	s2 =	stileid.u32  }
0x4: {  	s4 =	rddreg [dreg:$0x2];
	s28 =	simm.s32 $0x9;
	s10 =	simm.s32 $0x800  }
0x5: {  	s29 =	simm.s32 $0x80;
	s9 =	simm.s32 $0x3000;
	s30 =	simm.s32 $0x100  }
0x6: {  	s31 =	simm.s32 $0x180;
	s15 =	simm.s32 $0x8000;
	s14 =	simm.s32 $0x1  }
0x7: {  	s26 =	simm.s32 $0x200;
	s12 =	simm.s32 $0x2;
	s25 =	simm.s32 $0x280  }
0x8: {  	s13 =	simm.s32 $0x7;
	s1 =	sand.u32 $0x1, s1;
	s2 =	sshll.u32 s2, $0x1  }
0x9: {  	p0 =	por $0x0, $0x0;
	s5 =	sor.u32 s1, s2;
	s2 =	simm.s32 $0x0  }
0xa: {  	s1 =	ssub.s32 $0x2, s1;
	s6 =	sshll.u32 s5, $0x8;
	s7 =	smul.u32 $0x19000, s5  }
0xb: {  	[smem:$0x7FF] =	sst s2;
	s5 =	smul.u32 $0x3200, s5;
	s21 =	sshrl.u32 s1, $0x1  }
0xc: {  	s0 =	sadd.s32 s6, s0;
	_ =	strace $0x80000047;
	s1 =	ssub.s32 s1, s21  }
0xd: {  	s6 =	simm.s32 $0x5;
	s21 =	simm.s32 $0x480;
	s0 =	sadd.s32 $0x2000, s0  }
0xe: {  	s16 =	sshrl.u32 s7, $0x3;
	s17 =	sadd.s32 s4, s5;
	s24 =	smax.u32 s1, $0x1  }
0xf: {  	s7 =	simm.s32 $0x6;
	[dreg:$0x4] =	wrdreg s0;
	s4 =	sadd.s32 s4, s16  }
0x10: {  	[dreg:$0x5] =	wrdreg s17;
	s17 =	simm.s32 $0x50;
	p1 =	sne.s32 s24, $0x1  }
0x11: {  	s1 =	sadd.s32 $0xFFFFFFFF, s24;
	s24 =	simm.s32 $0x300;
	s16 =	simm.s32 $0x8  }
0x12: {  	s18 =	sadd.s32 $0x500, s4;
	s19 =	sadd.s32 $0xA00, s4;
	s0 =	rddreg [dreg:$0x4]  }
0x13: {  	s20 =	sadd.s32 $0xF00, s4;
	s22 =	sadd.s32 $0x1400, s4;
	[dreg:$0x6] =	wrdreg s18  }
.Ltmp0:
0x14: {  	s23 =	sadd.s32 $0x1900, s4;
	[dreg:$0x7] =	wrdreg s19;
	(pc) =	sbr.rel @!p1 .LBB2_3-.Ltmp0, $4  }
0x15: {  	s11 =	sadd.s32 $0x1E00, s4;
	s8 =	sadd.s32 $0x2300, s4;
	[dreg:$0x8] =	wrdreg s20  }
0x16: {  	s5 =	sadd.s32 $0x2800, s4;
	s4 =	sadd.s32 $0x2D00, s4;
	[dreg:$0x9] =	wrdreg s22  }
0x17: {  	[dreg:$0xa] =	wrdreg s23;
	s18 =	simm.s32 $0x5800;
	s19 =	simm.s32 $0x3  }
0x18: {  	s20 =	simm.s32 $0x4;
	s23 =	simm.s32 $0x380;
	s22 =	simm.s32 $0x400  }
0x19: {  	[tilespmem:s2], [sflag:$0x9] =	stream.linear.gather [hbm4b:s0+s2], $0x500, $0x38;
	[tilespmem:$0xA800] =	vst v63  }
0x1a: {  	_ =	swait.ge [sflag:s28], $0x500  }
0x1b: {  	[sflag:s28] =	ssyncset.done $0x0  }
0x1c: {  	[sflag:s28] =	ssyncadd.s32 $0xFFFFFB00  }
0x1d: {  	[tilespmem:s10], [sflag:$0x1] =	stream.indirect.gather [hbm4b:s3+s17], $0x80, s2, s17, $0xb8;
	[tilespmem:$0xA800] =	vst v63  }
0x1e: {  	_ = 	snop  }
0x1f: {  	[tilespmem:s9], [sflag:$0x2] =	stream.indirect.gather [hbm4b:s3+s17], $0x80, s29, s17, $0xb8;
	[tilespmem:$0xA800] =	vst v63  }
0x20: {  	_ = 	snop  }
0x21: {  	[tilespmem:s18], [sflag:$0x3] =	stream.indirect.gather [hbm4b:s3+s17], $0x80, s30, s17, $0xb8;
	[tilespmem:$0xA800] =	vst v63  }
0x22: {  	_ = 	snop  }
0x23: {  	[tilespmem:s15], [sflag:$0x4] =	stream.indirect.gather [hbm4b:s3+s17], $0x80, s31, s17, $0xb8;
	[tilespmem:$0xA800] =	vst v63  }
0x24: {  	_ =	swait.ge [sflag:s14], $0x2800  }
0x25: {  	[sflag:s14] =	ssyncset.done $0x0  }
0x26: {  	s0 =	rddreg [dreg:$0x5];
	[sflag:s14] =	ssyncadd.s32 $0xFFFFD800  }
0x27: {  	[hbm4b:s0+s2] =	stream.linear.scatter [tilespmem:s10], [sflag:$0x5], $0x2800, $0x38;
	[tilespmem:$0xA800] =	vst v63  }
0x28: {  	_ =	swait.ge [sflag:s6], $0x2800  }
0x29: {  	[sflag:s6] =	ssyncset.done $0x0  }
0x2a: {  	[sflag:s6] =	ssyncadd.s32 $0xFFFFD800  }
0x2b: {  	[tilespmem:s10], [sflag:$0x1] =	stream.indirect.gather [hbm4b:s3+s17], $0x80, s26, s17, $0xb8;
	[tilespmem:$0xA800] =	vst v63  }
0x2c: {  	_ =	swait.ge [sflag:s12], $0x2800  }
0x2d: {  	[sflag:s12] =	ssyncset.done $0x0  }
0x2e: {  	s0 =	rddreg [dreg:$0x6];
	[sflag:s12] =	ssyncadd.s32 $0xFFFFD800  }
0x2f: {  	[hbm4b:s0+s2] =	stream.linear.scatter [tilespmem:s9], [sflag:$0x6], $0x2800, $0x38;
	[tilespmem:$0xA800] =	vst v63  }
0x30: {  	_ =	swait.ge [sflag:s7], $0x2800  }
0x31: {  	[sflag:s7] =	ssyncset.done $0x0  }
0x32: {  	[sflag:s7] =	ssyncadd.s32 $0xFFFFD800  }
0x33: {  	[tilespmem:s9], [sflag:$0x2] =	stream.indirect.gather [hbm4b:s3+s17], $0x80, s25, s17, $0xb8;
	[tilespmem:$0xA800] =	vst v63  }
0x34: {  	_ =	swait.ge [sflag:s19], $0x2800  }
0x35: {  	[sflag:s19] =	ssyncset.done $0x0  }
0x36: {  	s0 =	rddreg [dreg:$0x7];
	[sflag:s19] =	ssyncadd.s32 $0xFFFFD800  }
0x37: {  	[hbm4b:s0+s2] =	stream.linear.scatter [tilespmem:s18], [sflag:$0x7], $0x2800, $0x38;
	[tilespmem:$0xA800] =	vst v63  }
0x38: {  	_ =	swait.ge [sflag:s13], $0x2800  }
0x39: {  	[sflag:s13] =	ssyncset.done $0x0  }
0x3a: {  	[sflag:s13] =	ssyncadd.s32 $0xFFFFD800  }
0x3b: {  	[tilespmem:s18], [sflag:$0x3] =	stream.indirect.gather [hbm4b:s3+s17], $0x80, s24, s17, $0xb8;
	[tilespmem:$0xA800] =	vst v63  }
0x3c: {  	_ =	swait.ge [sflag:s20], $0x2800  }
0x3d: {  	[sflag:s20] =	ssyncset.done $0x0  }
0x3e: {  	s0 =	rddreg [dreg:$0x8];
	[sflag:s20] =	ssyncadd.s32 $0xFFFFD800  }
0x3f: {  	[hbm4b:s0+s2] =	stream.linear.scatter [tilespmem:s15], [sflag:$0x8], $0x2800, $0x38;
	[tilespmem:$0xA800] =	vst v63  }
0x40: {  	_ =	swait.ge [sflag:s16], $0x2800  }
0x41: {  	[sflag:s16] =	ssyncset.done $0x0  }
0x42: {  	[sflag:s16] =	ssyncadd.s32 $0xFFFFD800  }
0x43: {  	[tilespmem:s15], [sflag:$0x4] =	stream.indirect.gather [hbm4b:s3+s17], $0x80, s23, s17, $0xb8;
	[tilespmem:$0xA800] =	vst v63  }
0x44: {  	_ =	swait.ge [sflag:s14], $0x2800  }
0x45: {  	[sflag:s14] =	ssyncset.done $0x0  }
0x46: {  	s0 =	rddreg [dreg:$0x9];
	[sflag:s14] =	ssyncadd.s32 $0xFFFFD800  }
0x47: {  	[hbm4b:s0+s2] =	stream.linear.scatter [tilespmem:s10], [sflag:$0x5], $0x2800, $0x38;
	[tilespmem:$0xA800] =	vst v63  }
0x48: {  	_ =	swait.ge [sflag:s6], $0x2800  }
0x49: {  	[sflag:s6] =	ssyncset.done $0x0  }
0x4a: {  	[sflag:s6] =	ssyncadd.s32 $0xFFFFD800  }
0x4b: {  	[tilespmem:s10], [sflag:$0x1] =	stream.indirect.gather [hbm4b:s3+s17], $0x80, s22, s17, $0xb8;
	[tilespmem:$0xA800] =	vst v63  }
0x4c: {  	_ =	swait.ge [sflag:s12], $0x2800  }
0x4d: {  	[sflag:s12] =	ssyncset.done $0x0  }
0x4e: {  	s0 =	rddreg [dreg:$0xa];
	[sflag:s12] =	ssyncadd.s32 $0xFFFFD800  }
0x4f: {  	[hbm4b:s0+s2] =	stream.linear.scatter [tilespmem:s9], [sflag:$0x6], $0x2800, $0x38;
	[tilespmem:$0xA800] =	vst v63  }
0x50: {  	_ =	swait.ge [sflag:s7], $0x2800  }
0x51: {  	[sflag:s7] =	ssyncset.done $0x0  }
0x52: {  	[sflag:s7] =	ssyncadd.s32 $0xFFFFD800  }
0x53: {  	[tilespmem:s9], [sflag:$0x2] =	stream.indirect.gather [hbm4b:s3+s17], $0x80, s21, s17, $0xb8;
	[tilespmem:$0xA800] =	vst v63  }
0x54: {  	_ =	swait.ge [sflag:s19], $0x2800  }
0x55: {  	[sflag:s19] =	ssyncset.done $0x0  }
0x56: {  	[sflag:s19] =	ssyncadd.s32 $0xFFFFD800  }
0x57: {  	[hbm4b:s11+s2] =	stream.linear.scatter [tilespmem:s18], [sflag:$0x7], $0x2800, $0x38;
	[tilespmem:$0xA800] =	vst v63  }
0x58: {  	_ =	swait.ge [sflag:s20], $0x2800  }
0x59: {  	[sflag:s20] =	ssyncset.done $0x0  }
0x5a: {  	[sflag:s20] =	ssyncadd.s32 $0xFFFFD800  }
0x5b: {  	[hbm4b:s8+s2] =	stream.linear.scatter [tilespmem:s15], [sflag:$0x8], $0x2800, $0x38;
	[tilespmem:$0xA800] =	vst v63  }
0x5c: {  	_ =	swait.ge [sflag:s14], $0x2800  }
0x5d: {  	[sflag:s14] =	ssyncset.done $0x0  }
0x5e: {  	[sflag:s14] =	ssyncadd.s32 $0xFFFFD800  }
0x5f: {  	[hbm4b:s5+s2] =	stream.linear.scatter [tilespmem:s10], [sflag:$0x5], $0x2800, $0x38;
	[tilespmem:$0xA800] =	vst v63  }
0x60: {  	_ =	swait.ge [sflag:s12], $0x2800  }
0x61: {  	[sflag:s12] =	ssyncset.done $0x0  }
0x62: {  	[sflag:s12] =	ssyncadd.s32 $0xFFFFD800  }
0x63: {  	[hbm4b:s4+s2] =	stream.linear.scatter [tilespmem:s9], [sflag:$0x6], $0x2800, $0x38;
	[tilespmem:$0xA800] =	vst v63  }
0x64: {  	_ =	swait.ge [sflag:s13], $0x2800  }
0x65: {  	[sflag:s13] =	ssyncset.done $0x0  }
0x66: {  	[sflag:s13] =	ssyncadd.s32 $0xFFFFD800  }
0x67: {  	_ =	swait.ge [sflag:s16], $0x2800  }
0x68: {  	[sflag:s16] =	ssyncset.done $0x0  }
0x69: {  	p1 =	sne.s32 s1, $0x1;
	[sflag:s16] =	ssyncadd.s32 $0xFFFFD800  }
.Ltmp1:
0x6a: {  	_ =	swait.ge [sflag:s6], $0x2800;
	(pc) =	sbr.rel @!p1 .LBB2_3-.Ltmp1, $4  }
0x6b: {  	[sflag:s6] =	ssyncset.done $0x0  }
0x6c: {  	[sflag:s6] =	ssyncadd.s32 $0xFFFFD800  }
0x6d: {  	s1 =	sadd.s32 $0xFFFFFFFF, s1;
	_ =	swait.ge [sflag:s7], $0x2800  }
0x6e: {  	p0 =	por $0x1, $0x1;
	s0 =	rddreg [dreg:$0x4];
	[sflag:s7] =	ssyncset.done $0x0  }
.LBB2_2:
0x6f: {  	[sflag:s7] =	ssyncadd.s32 $0xFFFFD800  }
0x70: {  	[tilespmem:s2], [sflag:$0x9] =	stream.linear.gather [hbm4b:s0+s2], $0x500, $0x38;
	[tilespmem:$0xA800] =	vst v63  }
0x71: {  	_ =	swait.ge [sflag:s28], $0x500  }
0x72: {  	[sflag:s28] =	ssyncset.done $0x0  }
0x73: {  	[sflag:s28] =	ssyncadd.s32 $0xFFFFFB00  }
0x74: {  	[tilespmem:s10], [sflag:$0x1] =	stream.indirect.gather [hbm4b:s3+s17], $0x80, s2, s17, $0xb8;
	[tilespmem:$0xA800] =	vst v63  }
0x75: {  	_ = 	snop  }
0x76: {  	[tilespmem:s9], [sflag:$0x2] =	stream.indirect.gather [hbm4b:s3+s17], $0x80, s29, s17, $0xb8;
	[tilespmem:$0xA800] =	vst v63  }
0x77: {  	_ = 	snop  }
0x78: {  	[tilespmem:s18], [sflag:$0x3] =	stream.indirect.gather [hbm4b:s3+s17], $0x80, s30, s17, $0xb8;
	[tilespmem:$0xA800] =	vst v63  }
0x79: {  	_ = 	snop  }
0x7a: {  	[tilespmem:s15], [sflag:$0x4] =	stream.indirect.gather [hbm4b:s3+s17], $0x80, s31, s17, $0xb8;
	[tilespmem:$0xA800] =	vst v63  }
0x7b: {  	_ =	swait.ge [sflag:s14], $0x2800  }
0x7c: {  	[sflag:s14] =	ssyncset.done $0x0  }
0x7d: {  	s0 =	rddreg [dreg:$0x5];
	[sflag:s14] =	ssyncadd.s32 $0xFFFFD800  }
0x7e: {  	[hbm4b:s0+s2] =	stream.linear.scatter [tilespmem:s10], [sflag:$0x5], $0x2800, $0x38;
	[tilespmem:$0xA800] =	vst v63  }
0x7f: {  	_ =	swait.ge [sflag:s6], $0x2800  }
0x80: {  	[sflag:s6] =	ssyncset.done $0x0  }
0x81: {  	[sflag:s6] =	ssyncadd.s32 $0xFFFFD800  }
0x82: {  	[tilespmem:s10], [sflag:$0x1] =	stream.indirect.gather [hbm4b:s3+s17], $0x80, s26, s17, $0xb8;
	[tilespmem:$0xA800] =	vst v63  }
0x83: {  	_ =	swait.ge [sflag:s12], $0x2800  }
0x84: {  	[sflag:s12] =	ssyncset.done $0x0  }
0x85: {  	s0 =	rddreg [dreg:$0x6];
	[sflag:s12] =	ssyncadd.s32 $0xFFFFD800  }
0x86: {  	[hbm4b:s0+s2] =	stream.linear.scatter [tilespmem:s9], [sflag:$0x6], $0x2800, $0x38;
	[tilespmem:$0xA800] =	vst v63  }
0x87: {  	_ =	swait.ge [sflag:s7], $0x2800  }
0x88: {  	[sflag:s7] =	ssyncset.done $0x0  }
0x89: {  	[sflag:s7] =	ssyncadd.s32 $0xFFFFD800  }
0x8a: {  	[tilespmem:s9], [sflag:$0x2] =	stream.indirect.gather [hbm4b:s3+s17], $0x80, s25, s17, $0xb8;
	[tilespmem:$0xA800] =	vst v63  }
0x8b: {  	_ =	swait.ge [sflag:s19], $0x2800  }
0x8c: {  	[sflag:s19] =	ssyncset.done $0x0  }
0x8d: {  	s0 =	rddreg [dreg:$0x7];
	[sflag:s19] =	ssyncadd.s32 $0xFFFFD800  }
0x8e: {  	[hbm4b:s0+s2] =	stream.linear.scatter [tilespmem:s18], [sflag:$0x7], $0x2800, $0x38;
	[tilespmem:$0xA800] =	vst v63  }
0x8f: {  	_ =	swait.ge [sflag:s13], $0x2800  }
0x90: {  	[sflag:s13] =	ssyncset.done $0x0  }
0x91: {  	[sflag:s13] =	ssyncadd.s32 $0xFFFFD800  }
0x92: {  	[tilespmem:s18], [sflag:$0x3] =	stream.indirect.gather [hbm4b:s3+s17], $0x80, s24, s17, $0xb8;
	[tilespmem:$0xA800] =	vst v63  }
0x93: {  	_ =	swait.ge [sflag:s20], $0x2800  }
0x94: {  	[sflag:s20] =	ssyncset.done $0x0  }
0x95: {  	s0 =	rddreg [dreg:$0x8];
	[sflag:s20] =	ssyncadd.s32 $0xFFFFD800  }
0x96: {  	[hbm4b:s0+s2] =	stream.linear.scatter [tilespmem:s15], [sflag:$0x8], $0x2800, $0x38;
	[tilespmem:$0xA800] =	vst v63  }
0x97: {  	_ =	swait.ge [sflag:s16], $0x2800  }
0x98: {  	[sflag:s16] =	ssyncset.done $0x0  }
0x99: {  	[sflag:s16] =	ssyncadd.s32 $0xFFFFD800  }
0x9a: {  	[tilespmem:s15], [sflag:$0x4] =	stream.indirect.gather [hbm4b:s3+s17], $0x80, s23, s17, $0xb8;
	[tilespmem:$0xA800] =	vst v63  }
0x9b: {  	_ =	swait.ge [sflag:s14], $0x2800  }
0x9c: {  	[sflag:s14] =	ssyncset.done $0x0  }
0x9d: {  	s0 =	rddreg [dreg:$0x9];
	[sflag:s14] =	ssyncadd.s32 $0xFFFFD800  }
0x9e: {  	[hbm4b:s0+s2] =	stream.linear.scatter [tilespmem:s10], [sflag:$0x5], $0x2800, $0x38;
	[tilespmem:$0xA800] =	vst v63  }
0x9f: {  	_ =	swait.ge [sflag:s6], $0x2800  }
0xa0: {  	[sflag:s6] =	ssyncset.done $0x0  }
0xa1: {  	[sflag:s6] =	ssyncadd.s32 $0xFFFFD800  }
0xa2: {  	[tilespmem:s10], [sflag:$0x1] =	stream.indirect.gather [hbm4b:s3+s17], $0x80, s22, s17, $0xb8;
	[tilespmem:$0xA800] =	vst v63  }
0xa3: {  	_ =	swait.ge [sflag:s12], $0x2800  }
0xa4: {  	[sflag:s12] =	ssyncset.done $0x0  }
0xa5: {  	s0 =	rddreg [dreg:$0xa];
	[sflag:s12] =	ssyncadd.s32 $0xFFFFD800  }
0xa6: {  	[hbm4b:s0+s2] =	stream.linear.scatter [tilespmem:s9], [sflag:$0x6], $0x2800, $0x38;
	[tilespmem:$0xA800] =	vst v63  }
0xa7: {  	_ =	swait.ge [sflag:s7], $0x2800  }
0xa8: {  	[sflag:s7] =	ssyncset.done $0x0  }
0xa9: {  	[sflag:s7] =	ssyncadd.s32 $0xFFFFD800  }
0xaa: {  	[tilespmem:s9], [sflag:$0x2] =	stream.indirect.gather [hbm4b:s3+s17], $0x80, s21, s17, $0xb8;
	[tilespmem:$0xA800] =	vst v63  }
0xab: {  	_ =	swait.ge [sflag:s19], $0x2800  }
0xac: {  	[sflag:s19] =	ssyncset.done $0x0  }
0xad: {  	[sflag:s19] =	ssyncadd.s32 $0xFFFFD800  }
0xae: {  	[hbm4b:s11+s2] =	stream.linear.scatter [tilespmem:s18], [sflag:$0x7], $0x2800, $0x38;
	[tilespmem:$0xA800] =	vst v63  }
0xaf: {  	_ =	swait.ge [sflag:s20], $0x2800  }
0xb0: {  	[sflag:s20] =	ssyncset.done $0x0  }
0xb1: {  	[sflag:s20] =	ssyncadd.s32 $0xFFFFD800  }
0xb2: {  	[hbm4b:s8+s2] =	stream.linear.scatter [tilespmem:s15], [sflag:$0x8], $0x2800, $0x38;
	[tilespmem:$0xA800] =	vst v63  }
0xb3: {  	_ =	swait.ge [sflag:s14], $0x2800  }
0xb4: {  	[sflag:s14] =	ssyncset.done $0x0  }
0xb5: {  	[sflag:s14] =	ssyncadd.s32 $0xFFFFD800  }
0xb6: {  	[hbm4b:s5+s2] =	stream.linear.scatter [tilespmem:s10], [sflag:$0x5], $0x2800, $0x38;
	[tilespmem:$0xA800] =	vst v63  }
0xb7: {  	_ =	swait.ge [sflag:s12], $0x2800  }
0xb8: {  	[sflag:s12] =	ssyncset.done $0x0  }
0xb9: {  	[sflag:s12] =	ssyncadd.s32 $0xFFFFD800  }
0xba: {  	[hbm4b:s4+s2] =	stream.linear.scatter [tilespmem:s9], [sflag:$0x6], $0x2800, $0x38;
	[tilespmem:$0xA800] =	vst v63  }
0xbb: {  	_ =	swait.ge [sflag:s13], $0x2800  }
0xbc: {  	[sflag:s13] =	ssyncset.done $0x0  }
0xbd: {  	[sflag:s13] =	ssyncadd.s32 $0xFFFFD800  }
0xbe: {  	_ =	swait.ge [sflag:s16], $0x2800  }
0xbf: {  	[sflag:s16] =	ssyncset.done $0x0  }
0xc0: {  	p1 =	sne.s32 s1, $0x1;
	[sflag:s16] =	ssyncadd.s32 $0xFFFFD800  }
.Ltmp2:
0xc1: {  	_ =	swait.ge [sflag:s6], $0x2800;
	(pc) =	sbr.rel @p1 .LBB2_2-.Ltmp2, $4  }
0xc2: {  	[sflag:s6] =	ssyncset.done $0x0  }
0xc3: {  	[sflag:s6] =	ssyncadd.s32 $0xFFFFD800  }
0xc4: {  	_ =	swait.ge [sflag:s7], $0x2800  }
0xc5: {  	s1 =	sadd.s32 $0xFFFFFFFF, s1;
	s0 =	rddreg [dreg:$0x4];
	[sflag:s7] =	ssyncset.done $0x0  }
.LBB2_3:
0xc6: {  	[sflag:s7] =	ssyncadd.s32 @p0 $0xFFFFD800  }
0xc7: {  	[tilespmem:s2], [sflag:$0x9] =	stream.linear.gather [hbm4b:s0+s2], $0x500, $0x38;
	[tilespmem:$0xA800] =	vst v63  }
0xc8: {  	_ =	swait.ge [sflag:s28], $0x500  }
0xc9: {  	[sflag:s28] =	ssyncset.done $0x0  }
0xca: {  	[sflag:s28] =	ssyncadd.s32 $0xFFFFFB00  }
0xcb: {  	[tilespmem:s10], [sflag:$0x1] =	stream.indirect.gather [hbm4b:s3+s17], $0x80, s2, s17, $0xb8;
	[tilespmem:$0xA800] =	vst v63  }
0xcc: {  	_ = 	snop  }
0xcd: {  	[tilespmem:s9], [sflag:$0x2] =	stream.indirect.gather [hbm4b:s3+s17], $0x80, s29, s17, $0xb8;
	[tilespmem:$0xA800] =	vst v63  }
0xce: {  	_ = 	snop  }
0xcf: {  	[tilespmem:s18], [sflag:$0x3] =	stream.indirect.gather [hbm4b:s3+s17], $0x80, s30, s17, $0xb8;
	[tilespmem:$0xA800] =	vst v63  }
0xd0: {  	_ = 	snop  }
0xd1: {  	[tilespmem:s15], [sflag:$0x4] =	stream.indirect.gather [hbm4b:s3+s17], $0x80, s31, s17, $0xb8;
	[tilespmem:$0xA800] =	vst v63  }
0xd2: {  	_ =	swait.ge [sflag:s14], $0x2800  }
0xd3: {  	[sflag:s14] =	ssyncset.done $0x0  }
0xd4: {  	s31 =	rddreg [dreg:$0x5];
	[sflag:s14] =	ssyncadd.s32 $0xFFFFD800  }
0xd5: {  	[hbm4b:s31+s2] =	stream.linear.scatter [tilespmem:s10], [sflag:$0x5], $0x2800, $0x38;
	[tilespmem:$0xA800] =	vst v63  }
0xd6: {  	_ =	swait.ge [sflag:s6], $0x2800  }
0xd7: {  	[sflag:s6] =	ssyncset.done $0x0  }
0xd8: {  	[sflag:s6] =	ssyncadd.s32 $0xFFFFD800  }
0xd9: {  	[tilespmem:s10], [sflag:$0x1] =	stream.indirect.gather [hbm4b:s3+s17], $0x80, s26, s17, $0xb8;
	[tilespmem:$0xA800] =	vst v63  }
0xda: {  	_ =	swait.ge [sflag:s12], $0x2800  }
0xdb: {  	[sflag:s12] =	ssyncset.done $0x0  }
0xdc: {  	s1 =	rddreg [dreg:$0x6];
	[sflag:s12] =	ssyncadd.s32 $0xFFFFD800  }
0xdd: {  	[hbm4b:s1+s2] =	stream.linear.scatter [tilespmem:s9], [sflag:$0x6], $0x2800, $0x38;
	[tilespmem:$0xA800] =	vst v63  }
0xde: {  	_ =	swait.ge [sflag:s7], $0x2800  }
0xdf: {  	[sflag:s7] =	ssyncset.done $0x0  }
0xe0: {  	[sflag:s7] =	ssyncadd.s32 $0xFFFFD800  }
0xe1: {  	[tilespmem:s9], [sflag:$0x2] =	stream.indirect.gather [hbm4b:s3+s17], $0x80, s25, s17, $0xb8;
	[tilespmem:$0xA800] =	vst v63  }
0xe2: {  	_ =	swait.ge [sflag:s19], $0x2800  }
0xe3: {  	[sflag:s19] =	ssyncset.done $0x0  }
0xe4: {  	s26 =	rddreg [dreg:$0x7];
	[sflag:s19] =	ssyncadd.s32 $0xFFFFD800  }
0xe5: {  	[hbm4b:s26+s2] =	stream.linear.scatter [tilespmem:s18], [sflag:$0x7], $0x2800, $0x38;
	[tilespmem:$0xA800] =	vst v63  }
0xe6: {  	_ =	swait.ge [sflag:s13], $0x2800  }
0xe7: {  	[sflag:s13] =	ssyncset.done $0x0  }
0xe8: {  	[sflag:s13] =	ssyncadd.s32 $0xFFFFD800  }
0xe9: {  	[tilespmem:s18], [sflag:$0x3] =	stream.indirect.gather [hbm4b:s3+s17], $0x80, s24, s17, $0xb8;
	[tilespmem:$0xA800] =	vst v63  }
0xea: {  	_ =	swait.ge [sflag:s20], $0x2800  }
0xeb: {  	[sflag:s20] =	ssyncset.done $0x0  }
0xec: {  	s28 =	rddreg [dreg:$0x8];
	[sflag:s20] =	ssyncadd.s32 $0xFFFFD800  }
0xed: {  	[hbm4b:s28+s2] =	stream.linear.scatter [tilespmem:s15], [sflag:$0x8], $0x2800, $0x38;
	[tilespmem:$0xA800] =	vst v63  }
0xee: {  	_ =	swait.ge [sflag:s16], $0x2800  }
0xef: {  	[sflag:s16] =	ssyncset.done $0x0  }
0xf0: {  	[sflag:s16] =	ssyncadd.s32 $0xFFFFD800  }
0xf1: {  	[tilespmem:s15], [sflag:$0x4] =	stream.indirect.gather [hbm4b:s3+s17], $0x80, s23, s17, $0xb8;
	[tilespmem:$0xA800] =	vst v63  }
0xf2: {  	_ =	swait.ge [sflag:s14], $0x2800  }
0xf3: {  	[sflag:s14] =	ssyncset.done $0x0  }
0xf4: {  	s29 =	rddreg [dreg:$0x9];
	[sflag:s14] =	ssyncadd.s32 $0xFFFFD800  }
0xf5: {  	[hbm4b:s29+s2] =	stream.linear.scatter [tilespmem:s10], [sflag:$0x5], $0x2800, $0x38;
	[tilespmem:$0xA800] =	vst v63  }
0xf6: {  	_ =	swait.ge [sflag:s6], $0x2800  }
0xf7: {  	[sflag:s6] =	ssyncset.done $0x0  }
0xf8: {  	[sflag:s6] =	ssyncadd.s32 $0xFFFFD800  }
0xf9: {  	[tilespmem:s10], [sflag:$0x1] =	stream.indirect.gather [hbm4b:s3+s17], $0x80, s22, s17, $0xb8;
	[tilespmem:$0xA800] =	vst v63  }
0xfa: {  	_ =	swait.ge [sflag:s12], $0x2800  }
0xfb: {  	[sflag:s12] =	ssyncset.done $0x0  }
0xfc: {  	s30 =	rddreg [dreg:$0xa];
	[sflag:s12] =	ssyncadd.s32 $0xFFFFD800  }
0xfd: {  	[hbm4b:s30+s2] =	stream.linear.scatter [tilespmem:s9], [sflag:$0x6], $0x2800, $0x38;
	[tilespmem:$0xA800] =	vst v63  }
0xfe: {  	_ =	swait.ge [sflag:s7], $0x2800  }
0xff: {  	[sflag:s7] =	ssyncset.done $0x0  }
0x100: {  	[sflag:s7] =	ssyncadd.s32 $0xFFFFD800  }
0x101: {  	[tilespmem:s9], [sflag:$0x2] =	stream.indirect.gather [hbm4b:s3+s17], $0x80, s21, s17, $0xb8;
	[tilespmem:$0xA800] =	vst v63  }
0x102: {  	_ =	swait.ge [sflag:s19], $0x2800  }
0x103: {  	[sflag:s19] =	ssyncset.done $0x0  }
0x104: {  	[sflag:s19] =	ssyncadd.s32 $0xFFFFD800  }
0x105: {  	[hbm4b:s11+s2] =	stream.linear.scatter [tilespmem:s18], [sflag:$0x7], $0x2800, $0x38;
	[tilespmem:$0xA800] =	vst v63  }
0x106: {  	_ =	swait.ge [sflag:s20], $0x2800  }
0x107: {  	[sflag:s20] =	ssyncset.done $0x0  }
0x108: {  	[sflag:s20] =	ssyncadd.s32 $0xFFFFD800  }
0x109: {  	[hbm4b:s8+s2] =	stream.linear.scatter [tilespmem:s15], [sflag:$0x8], $0x2800, $0x38;
	[tilespmem:$0xA800] =	vst v63  }
0x10a: {  	_ =	swait.ge [sflag:s14], $0x2800  }
0x10b: {  	[sflag:s14] =	ssyncset.done $0x0  }
0x10c: {  	[sflag:s14] =	ssyncadd.s32 $0xFFFFD800  }
0x10d: {  	[hbm4b:s5+s2] =	stream.linear.scatter [tilespmem:s10], [sflag:$0x5], $0x2800, $0x38;
	[tilespmem:$0xA800] =	vst v63  }
0x10e: {  	_ =	swait.ge [sflag:s12], $0x2800  }
0x10f: {  	[sflag:s12] =	ssyncset.done $0x0  }
0x110: {  	[sflag:s12] =	ssyncadd.s32 $0xFFFFD800  }
0x111: {  	[hbm4b:s4+s2] =	stream.linear.scatter [tilespmem:s9], [sflag:$0x6], $0x2800, $0x38;
	[tilespmem:$0xA800] =	vst v63  }
0x112: {  	_ =	swait.ge [sflag:s13], $0x2800  }
0x113: {  	[sflag:s13] =	ssyncset.done $0x0  }
0x114: {  	[sflag:s13] =	ssyncadd.s32 $0xFFFFD800  }
0x115: {  	_ =	swait.ge [sflag:s16], $0x2800  }
0x116: {  	[sflag:s16] =	ssyncset.done $0x0  }
0x117: {  	[sflag:s16] =	ssyncadd.s32 $0xFFFFD800  }
0x118: {  	_ =	swait.ge [sflag:s6], $0x2800  }
0x119: {  	[sflag:s6] =	ssyncset.done $0x0  }
0x11a: {  	[sflag:s6] =	ssyncadd.s32 $0xFFFFD800  }
0x11b: {  	_ =	swait.ge [sflag:s7], $0x2800  }
0x11c: {  	[sflag:s7] =	ssyncset.done $0x0  }
0x11d: {  	[sflag:s7] =	ssyncadd.s32 $0xFFFFD800  }
0x11e: {  	_ =	sfence.sel $0x180000  }
0x11f: {  	[bflag:$0x0] =	sbarrier.arrive $0xFFFF  }
0x120: {  	_ =	strace $0x90000047  }
0x121: {  	s31 =	stileid.u32;
	[bflag:$0x2] =	sbarrier.arrive $0xFFFF  }
0x122: {  	p0 =	sne.s32 s31, $0x0;
	s0 =	rddreg [dreg:$0x3]  }
0x123: {  	s0 =	sadd.s32 @!p0 $0x100000, s0  }
0x124: {  	[sflag:s0] =	ssyncadd.tile.s32 @!p0 $0x1;
	_ =	shalt  }
.Lfunc_end2:
_tile_overlayer_lowered:
.L_overlay_start_2:
0x125: {  	(tag) =	ssettag $0x2  }
0x126: {  	s0 =	rddreg [dreg:$0x0];
	s2 =	stileid.u32  }
0x127: {  	s1 =	rddreg [dreg:$0x1];
	p0 =	sne.s32 s2, $0x0  }
0x128: {  	s3 =	rddreg [dreg:$0x2];
	[bflag:$0x3] =	sbarrier.arrive $0xFFFF;
	s2 =	simm.s32 @!p0 $0x1C09  }
0x129: {  	[timem:s3], [sflag:s2] =	dma.local @!p0 [hbm:s0], s1  }
0x12a: {  	s0 =	simm.s32 @!p0 $0x9  }
0x12b: {  	_ =	swait.ge @!p0 [sflag:s0], s1  }
0x12c: {  	s1 =	ssub.s32 @!p0 $0x0, s1;
	[sflag:s0] =	ssyncset.done @!p0 $0x0  }
0x12d: {  	[sflag:s0] =	ssyncadd.s32 @!p0 s1  }
0x12e: {  	[bflag:$0x3] =	sbarrier.arrive $0xFFFF  }
0x12f: {  	_ =	shalt  }

// kernel: kernel.9.cloned.1.call-start
scs
__scs_entry_jumppad:
0x0: {  	(pc) =	sbr.rel $0x88, $3  }
0x1: {  	(tag) =	ssettag $0x0;
	lr =	simm.s32 $0x1  }
0x2: {  	[smem:$0x3F97] =	sst lr;
	_ =	strace $0xD0000000  }
0x3: {  	_ = 	snop  }
0x4: {  	_ = 	snop  }
0x5: {  	_ = 	snop  }
0x6: {  	_ = 	snop  }
0x7: {  	_ = 	snop  }
__scs_overlays_trampoline_lowered:
0x8: {  	[smem:$0x3FA6] =	sst s0  }
0x9: {  	[smem:$0x3FA7] =	sst s1  }
0xa: {  	[smem:$0x3FA8] =	sst s2  }
0xb: {  	[smem:$0x3FA9] =	sst s3  }
0xc: {  	[smem:$0x3FAA] =	sst s4  }
0xd: {  	[smem:$0x3FAB] =	sst s5  }
0xe: {  	[smem:$0x3FAC] =	sst s6  }
0xf: {  	[smem:$0x3FAD] =	sst s7  }
0x10: {  	[smem:$0x3FAE] =	sst s8  }
0x11: {  	[smem:$0x3FAF] =	sst s9;
	s0 =	simm.s32 @!p0 $0x0  }
0x12: {  	s1 =	sld [smem:$0x3F95];
	s0 =	simm.s32 @p0 $0x1  }
0x13: {  	[smem:$0x3FB0] =	sst s0;
	s0 =	simm.s32 @!p1 $0x0  }
0x14: {  	s2 =	sld [smem:$0x3F94];
	s0 =	simm.s32 @p1 $0x1  }
0x15: {  	[smem:$0x3FB1] =	sst s0;
	s0 =	simm.s32 @!p2 $0x0  }
0x16: {  	s3 =	sld [smem:$0x3FDB];
	s0 =	simm.s32 @p2 $0x1  }
0x17: {  	s4 =	simm.s32 $0x1BF5;
	[smem:$0x3FB3] =	sst s0  }
0x18: {  	s0 =	sld [smem:$0x3F96];
	_ =	swait.ge [sflag:s4], $0x0  }
0x19: {  	s7 =	sld [smem:$0x3F97]  }
0x1a: {  	s8 =	sadd.s32 $0xFFFFE003, lr  }
0x1b: {  	s9 =	sadd.s32 $0xFFFFFEF7, lr;
	s5 =	simm.s32 $0xFFFFFFFF;
	p2 =	slt.u32 s8, $0xFFFFF086  }
0x1c: {  	p1 =	slt.u32 s9, $0xF7A;
	s5 =	simm.s32 @!p2 $0x0  }
0x1d: {  	s5 =	simm.s32 @p1 $0x1;
	p0 =	seq.s32 s7, s2  }
0x1e: {  	s7 =	smul.u32 @!p0 $0xF7A, s2;
	p2 =	seq.s32 @!p0 s5, $0x0  }
0x1f: {  	s9 =	smul.u32 $0xF7A, s1;
	s8 =	simm.s32 @!p0 $0x1BF5;
	p2 =	por !p2, p0  }
0x20: {  	[sflag:s8] =	ssyncset.s32 @!p0 $0xFFFFF086;
	s6 =	sadd.s32 @!p0 s3, s7;
	s7 =	simm.s32 @!p0 $0x108  }
0x21: {  	s3 =	sadd.s32 s3, s9;
	s6 =	sadd.s32 @!p0 $0x88, s6;
	s7 =	simm.s32 @p2 $0x1082  }
0x22: {  	[simem:s7], [sflag:s8] =	dma.local @!p0 [hbm:s6], $0xF7A  }
0x23: {  	s9 =	sor.u32 $0xD0000000, s2;
	s6 =	simm.s32 $0x108;
	_ =	swait.ge @!p0 [sflag:s8], $0x0  }
0x24: {  	s3 =	sadd.s32 $0x88, s3;
	s6 =	simm.s32 @!p1 $0x1082;
	[sflag:s4] =	ssyncset.s32 $0xFFFFF086  }
0x25: {  	[simem:s6], [sflag:s4] =	dma.local [hbm:s3], $0xF7A  }
0x26: {  	[smem:$0x3F97] =	sst s1;
	(tag) =	ssettag s2;
	_ =	strace s9  }
0x27: {  	s1 =	sld [smem:$0x3FA7]  }
0x28: {  	s2 =	sld [smem:$0x3FA8]  }
0x29: {  	s4 =	sld [smem:$0x3FAA]  }
0x2a: {  	p0 =	seq.s32 s5, $0x0;
	s5 =	sld [smem:$0x3FAB]  }
0x2b: {  	s6 =	sld [smem:$0x3FAC]  }
0x2c: {  	s7 =	sld [smem:$0x3FAD]  }
0x2d: {  	s3 =	simm.s32 $0x108;
	s8 =	sld [smem:$0x3FAE]  }
0x2e: {  	s3 =	simm.s32 @!p0 $0x1082;
	s9 =	sld [smem:$0x3FAF]  }
0x2f: {  	lr =	sadd.s32 s0, s3;
	s0 =	sld [smem:$0x3FA6]  }
0x30: {  	s3 =	sld [smem:$0x3FA9]  }
0x31: {  	[smem:$0x3FB2] =	sst s10  }
0x32: {  	s10 =	sld [smem:$0x3FB0];
	_ =	sdelay $0x3  }
0x33: {  	p0 =	seq.s32 s10, $0x1;
	s10 =	sld [smem:$0x3FB2];
	_ =	sdelay $0x3  }
0x34: {  	[smem:$0x3FB2] =	sst s10  }
0x35: {  	s10 =	sld [smem:$0x3FB1];
	_ =	sdelay $0x3  }
0x36: {  	p1 =	seq.s32 s10, $0x1;
	s10 =	sld [smem:$0x3FB2];
	_ =	sdelay $0x3  }
0x37: {  	[smem:$0x3FB2] =	sst s10  }
0x38: {  	s10 =	sld [smem:$0x3FB3]  }
0x39: {  	_ = 	snop;
	(pc) =	sbr.ind lr, $3  }
0x3a: {  	_ = 	snop  }
0x3b: {  	_ = 	snop  }
0x3c: {  	p2 =	seq.s32 s10, $0x1;
	s10 =	sld [smem:$0x3FB2]  }
0x3d: {  	_ =	shalt  }
0x3e: {  	_ =	shalt  }
0x3f: {  	_ =	shalt  }
0x40: {  	_ =	shalt  }
0x41: {  	_ =	shalt  }
0x42: {  	_ =	shalt  }
0x43: {  	_ =	shalt  }
0x44: {  	_ =	shalt  }
0x45: {  	_ =	shalt  }
0x46: {  	_ =	shalt  }
0x47: {  	_ =	shalt  }
0x48: {  	_ =	shalt  }
0x49: {  	_ =	shalt  }
0x4a: {  	_ =	shalt  }
0x4b: {  	_ =	shalt  }
0x4c: {  	_ =	shalt  }
0x4d: {  	_ =	shalt  }
0x4e: {  	_ =	shalt  }
0x4f: {  	_ =	shalt  }
0x50: {  	_ =	shalt  }
0x51: {  	_ =	shalt  }
0x52: {  	_ =	shalt  }
0x53: {  	_ =	shalt  }
0x54: {  	_ =	shalt  }
0x55: {  	_ =	shalt  }
0x56: {  	_ =	shalt  }
0x57: {  	_ =	shalt  }
0x58: {  	_ =	shalt  }
0x59: {  	_ =	shalt  }
0x5a: {  	_ =	shalt  }
0x5b: {  	_ =	shalt  }
0x5c: {  	_ =	shalt  }
0x5d: {  	_ =	shalt  }
0x5e: {  	_ =	shalt  }
0x5f: {  	_ =	shalt  }
0x60: {  	_ =	shalt  }
0x61: {  	_ =	shalt  }
0x62: {  	_ =	shalt  }
0x63: {  	_ =	shalt  }
0x64: {  	_ =	shalt  }
0x65: {  	_ =	shalt  }
0x66: {  	_ =	shalt  }
0x67: {  	_ =	shalt  }
0x68: {  	_ =	shalt  }
0x69: {  	_ =	shalt  }
0x6a: {  	_ =	shalt  }
0x6b: {  	_ =	shalt  }
0x6c: {  	_ =	shalt  }
0x6d: {  	_ =	shalt  }
0x6e: {  	_ =	shalt  }
0x6f: {  	_ =	shalt  }
0x70: {  	_ =	shalt  }
0x71: {  	_ =	shalt  }
0x72: {  	_ =	shalt  }
0x73: {  	_ =	shalt  }
0x74: {  	_ =	shalt  }
0x75: {  	_ =	shalt  }
0x76: {  	_ =	shalt  }
0x77: {  	_ =	shalt  }
0x78: {  	_ =	shalt  }
0x79: {  	_ =	shalt  }
0x7a: {  	_ =	shalt  }
0x7b: {  	_ =	shalt  }
0x7c: {  	_ =	shalt  }
0x7d: {  	_ =	shalt  }
0x7e: {  	_ =	shalt  }
0x7f: {  	_ =	shalt  }
0x80: {  	_ =	shalt  }
0x81: {  	_ =	shalt  }
0x82: {  	_ =	shalt  }
0x83: {  	_ =	shalt  }
0x84: {  	_ =	shalt  }
0x85: {  	_ =	shalt  }
0x86: {  	_ =	shalt  }
0x87: {  	_ =	shalt  }
.Lfunc_end0:
.L_simem_size_0:
called_computation.1_lowered:
.L_overlay_start_0:
0x88: {  	s2 =	sld [smem:$0x3FD9]  }
0x89: {  	s3 =	sld [smem:$0x3FFE];
	_ =	sdelay $0x1  }
0x8a: {  	s1 =	srdreg.scid  }
0x8b: {  	s0 =	sand.u32 $0x1, s1  }
0x8c: {  	s17 =	sshll.u32 s0, $0xA;
	s2 =	sadd.s32 s3, s2  }
0x8d: {  	s2 =	sadd.s32 s2, s17  }
0x8e: {  	[smem:$0x3FBE] =	sst s2  }
0x8f: {  	_ = 	snop  }
0x90: {  	s18 =	sld [smem:$0x3FC6];
	(tm) =	ssettm $0x1  }
0x91: {  	s19 =	sld [smem:$0x3FFB];
	_ =	sdelay $0x3  }
0x92: {  	_ =	strace s19  }
0x93: {  	s2 =	sld [smem:$0x3FFC];
	_ =	sdelay $0x3  }
0x94: {  	_ =	strace s2  }
0x95: {  	s2 =	sld [smem:$0x3FFD];
	_ =	sdelay $0x3  }
0x96: {  	_ =	strace s2  }
0x97: {  	_ =	strace $0x8FFFFFFF  }
0x98: {  	s20 =	sld [smem:$0x3FDB];
	_ =	sdelay $0x1  }
0x99: {  	s4 =	simm.s32 $_scs_section_size  }
0x9a: {  	s5 =	simm.s32 $_size__tile_overlayer_lowered;
	s6 =	simm.s32 $_tile_overlayer_lowered  }
0x9b: {  	s7 =	simm.s32 $0x1BFF;
	s21 =	sshll.u32 s6, $0x1;
	s4 =	sadd.s32 s4, s20  }
0x9c: {  	s22 =	simm.s32 $0x0;
	s5 =	sshll.u32 s5, $0x1;
	s6 =	sadd.s32 s21, s4  }
0x9d: {  	[timem:s22], [sflag:s7] =	dma.local [hbm:s6], s5  }
0x9e: {  	_ =	swait.ge [sflag:s7], s5  }
0x9f: {  	s5 =	ssub.s32 $0x0, s5;
	[sflag:s7] =	ssyncset.done $0x0  }
0xa0: {  	[sflag:s7] =	ssyncadd.s32 s5;
	_ =	sdelay $0x1  }
0xa1: {  	s23 =	simm.s32 $0x1B8B  }
0xa2: {  	_ =	swait.ge [sflag:s23], $0x1  }
0xa3: {  	[sflag:s23] =	ssyncset.done $0x0  }
0xa4: {  	[sflag:s23] =	ssyncadd.s32 $0xFFFFFFFF  }
0xa5: {  	s5 =	sld [smem:$0x0]  }
0xa6: {  	s6 =	sand.u32 $0xFFFFFFFE, s1  }
0xa7: {  	p0 =	sne.s32 s1, s6  }
0xa8: {  	s6 =	sshll.u32 @p0 s6, $0xE  }
0xa9: {  	s6 =	sadd.s32 @p0 $0x11B8D, s6;
	s7 =	sshll.u32 @p0 s5, $0x11  }
0xaa: {  	s6 =	sor.u32 @p0 s7, s6  }
0xab: {  	[sflag:s6] =	ssyncadd.remote.s32 @p0 $0x1;
	_ =	sdelay $0x1  }
0xac: {  	s6 =	simm.s32 @p0 $0x1B8D  }
0xad: {  	_ =	swait.eq @p0 [sflag:s6], $0x1  }
0xae: {  	[sflag:s6] =	ssyncadd.s32 @p0 $0xFFFFFFFF  }
0xaf: {  	s7 =	sshll.u32 @!p0 s1, $0xE  }
0xb0: {  	s7 =	sor.u32 @!p0 $0x4000, s7;
	s6 =	simm.s32 @!p0 $0x1B8D  }
0xb1: {  	s5 =	sshll.u32 @!p0 s5, $0x11;
	s7 =	sadd.s32 @!p0 $0x11B8D, s7;
	_ =	swait.eq @!p0 [sflag:s6], $0x1  }
0xb2: {  	s5 =	sor.u32 @!p0 s5, s7;
	[sflag:s6] =	ssyncadd.s32 @!p0 $0xFFFFFFFF  }
0xb3: {  	s25 =	simm.s32 $0x1B8E;
	s24 =	sld [smem:$0x3FFE];
	[sflag:s5] =	ssyncadd.remote.s32 @!p0 $0x1  }
0xb4: {  	s26 =	simm.s32 $execute0_lowered;
	[smem:$0x3FD2] =	sst s25  }
0xb5: {  	s6 =	sshll.u32 s26, $0x1;
	_ =	strace $0x80000049;
	[dreg:$0x1] =	wrdreg $0xFFFFFFFF  }
0xb6: {  	s28 =	simm.s32 $_size_execute0_lowered;
	s4 =	sadd.s32 s4, s6;
	[dreg:$0x0] =	wrdreg $0x0  }
0xb7: {  	s6 =	sshll.u32 s28, $0x1;
	[dreg:$0x2] =	wrdreg s4  }
0xb8: {  	[dreg:$0x3] =	wrdreg s6  }
0xb9: {  	[dreg:$0x4] =	wrdreg $0xC0  }
0xba: {  	_ =	task [dreg:s22], $0x5FFFF  }
0xbb: {  	[dreg:$0x1] =	wrdreg $0xFFFFFFFF  }
0xbc: {  	[dreg:$0x0] =	wrdreg $0x60  }
0xbd: {  	[dreg:$0x2] =	wrdreg s18  }
0xbe: {  	[dreg:$0x3] =	wrdreg s24  }
0xbf: {  	[dreg:$0x4] =	wrdreg $0xA  }
0xc0: {  	_ =	task.clear_ibuf [dreg:s22], $0x5FFFF;
	_ =	strace $0x90000049  }
0xc1: {  	s29 =	simm.s32 $0xA;
	_ =	strace $0x8000004B  }
0xc2: {  	_ =	swait.ge [sflag:s29], $0x1  }
0xc3: {  	[sflag:s29] =	ssyncadd.s32 $0xFFFFFFFF  }
0xc4: {  	_ =	strace $0x9000004B  }
0xc5: {  	_ =	sfence  }
0xc6: {  	s30 =	sld [smem:$0x0];
	_ =	sdelay $0x2  }
0xc7: {  	s31 =	sshll.u32 s1, $0xD;
	s1 =	sshrl.u32 s1, $0x2  }
0xc8: {  	s4 =	sand.u32 $0x4000, s31;
	s1 =	sadd.s32 s1, s30  }
0xc9: {  	s0 =	sor.u32 s4, s0;
	s1 =	sshll.u32 s1, $0x11  }
0xca: {  	s0 =	sor.u32 s1, s0  }
0xcb: {  	s0 =	sadd.s32 $0x8F2B, s0  }
0xcc: {  	[sflag:s0] =	ssyncadd.remote.s32 $0x1  }
0xcd: {  	_ =	sfence.sel $0xFFFF  }
0xce: {  	[dreg:$0x0] =	wrdreg $0xFFFFFFFF;
	(pc) =	sbr.abs _section_cstart, $3  }
0xcf: {  	[dreg:$0x1] =	wrdreg $0xFFFFFFFF  }
0xd0: {  	_ =	task.clear_ibuf [dreg:s22], $0x2FFFF;
	_ =	strace $0x9FFFFFFF  }
0xd1: {  	(tm) =	ssettm $0x7FFFFFFF  }
tec
execute0_lowered:
.L_overlay_start_1:
0x0: {  	(tag) =	ssettag $0x1  }
0x1: {  	s3 =	rddreg [dreg:$0x0];
	s0 =	srdreg.scid  }
0x2: {  	s2 =	stileid.u32;
	s1 =	rddreg [dreg:$0x1]  }
0x3: {  	s28 =	simm.s32 $0x9;
	s17 =	simm.s32 $0x50;
	s10 =	simm.s32 $0x800  }
0x4: {  	s29 =	simm.s32 $0x80;
	s9 =	simm.s32 $0x3000;
	s30 =	simm.s32 $0x100  }
0x5: {  	s18 =	simm.s32 $0x5800;
	s31 =	simm.s32 $0x180;
	s15 =	simm.s32 $0x8000  }
0x6: {  	s14 =	simm.s32 $0x1;
	s12 =	simm.s32 $0x2;
	s7 =	simm.s32 $0x6  }
0x7: {  	s0 =	sand.u32 $0x1, s0;
	s4 =	sshll.u32 s2, $0x1;
	s2 =	simm.s32 $0x0  }
0x8: {  	s4 =	sor.u32 s0, s4;
	[smem:$0x7FF] =	sst s2;
	s0 =	ssub.s32 $0x2, s0  }
0x9: {  	s5 =	sshll.u32 s4, $0x8;
	s6 =	smul.u32 $0x19000, s4;
	_ =	strace $0x8000004A  }
0xa: {  	s4 =	smul.u32 $0x3200, s4;
	s24 =	sshrl.u32 s0, $0x1;
	s5 =	sadd.s32 s5, s1  }
0xb: {  	s1 =	sadd.s32 $0x6000, s1;
	s0 =	ssub.s32 s0, s24;
	s5 =	sadd.s32 $0x4000, s5  }
0xc: {  	s6 =	sshrl.u32 s6, $0x3;
	s4 =	sadd.s32 s1, s4;
	[dreg:$0x3] =	wrdreg s5  }
0xd: {  	s0 =	smax.u32 s0, $0x1;
	s1 =	sadd.s32 s1, s6;
	[dreg:$0x4] =	wrdreg s4  }
0xe: {  	p1 =	sne.s32 s0, $0x1;
	s21 =	sadd.s32 $0x500, s1;
	s22 =	sadd.s32 $0xA00, s1  }
0xf: {  	s23 =	sadd.s32 $0xF00, s1;
	s25 =	sadd.s32 $0x1400, s1;
	s26 =	sadd.s32 $0x1900, s1  }
0x10: {  	s11 =	sadd.s32 $0x1E00, s1;
	s8 =	sadd.s32 $0x2300, s1;
	s5 =	sadd.s32 $0x2800, s1  }
0x11: {  	s4 =	sadd.s32 $0x2D00, s1;
	s1 =	sadd.s32 $0xFFFFFFFF, s0;
	s0 =	rddreg [dreg:$0x3]  }
0x12: {  	s19 =	simm.s32 $0x3;
	s13 =	simm.s32 $0x7;
	[dreg:$0x5] =	wrdreg s21  }
.Ltmp0:
0x13: {  	p0 =	por $0x0, $0x0;
	[dreg:$0x6] =	wrdreg s22;
	(pc) =	sbr.rel @!p1 .LBB2_3-.Ltmp0, $4  }
0x14: {  	s20 =	simm.s32 $0x4;
	s16 =	simm.s32 $0x8;
	[dreg:$0x7] =	wrdreg s23  }
0x15: {  	s24 =	simm.s32 $0x300;
	s6 =	simm.s32 $0x5;
	[dreg:$0x8] =	wrdreg s25  }
0x16: {  	[dreg:$0x9] =	wrdreg s26;
	s26 =	simm.s32 $0x200;
	s25 =	simm.s32 $0x280  }
0x17: {  	s23 =	simm.s32 $0x380;
	s22 =	simm.s32 $0x400;
	s21 =	simm.s32 $0x480  }
0x18: {  	[tilespmem:s2], [sflag:$0x9] =	stream.linear.gather [hbm4b:s0+s2], $0x500, $0x38;
	[tilespmem:$0xA800] =	vst v63  }
0x19: {  	_ =	swait.ge [sflag:s28], $0x500  }
0x1a: {  	[sflag:s28] =	ssyncset.done $0x0  }
0x1b: {  	[sflag:s28] =	ssyncadd.s32 $0xFFFFFB00  }
0x1c: {  	[tilespmem:s10], [sflag:$0x1] =	stream.indirect.gather [hbm4b:s3+s17], $0x80, s2, s17, $0xb8;
	[tilespmem:$0xA800] =	vst v63  }
0x1d: {  	_ = 	snop  }
0x1e: {  	[tilespmem:s9], [sflag:$0x2] =	stream.indirect.gather [hbm4b:s3+s17], $0x80, s29, s17, $0xb8;
	[tilespmem:$0xA800] =	vst v63  }
0x1f: {  	_ = 	snop  }
0x20: {  	[tilespmem:s18], [sflag:$0x3] =	stream.indirect.gather [hbm4b:s3+s17], $0x80, s30, s17, $0xb8;
	[tilespmem:$0xA800] =	vst v63  }
0x21: {  	_ = 	snop  }
0x22: {  	[tilespmem:s15], [sflag:$0x4] =	stream.indirect.gather [hbm4b:s3+s17], $0x80, s31, s17, $0xb8;
	[tilespmem:$0xA800] =	vst v63  }
0x23: {  	_ =	swait.ge [sflag:s14], $0x2800  }
0x24: {  	[sflag:s14] =	ssyncset.done $0x0  }
0x25: {  	s0 =	rddreg [dreg:$0x4];
	[sflag:s14] =	ssyncadd.s32 $0xFFFFD800  }
0x26: {  	[hbm4b:s0+s2] =	stream.linear.scatter [tilespmem:s10], [sflag:$0x5], $0x2800, $0x38;
	[tilespmem:$0xA800] =	vst v63  }
0x27: {  	_ =	swait.ge [sflag:s6], $0x2800  }
0x28: {  	[sflag:s6] =	ssyncset.done $0x0  }
0x29: {  	[sflag:s6] =	ssyncadd.s32 $0xFFFFD800  }
0x2a: {  	[tilespmem:s10], [sflag:$0x1] =	stream.indirect.gather [hbm4b:s3+s17], $0x80, s26, s17, $0xb8;
	[tilespmem:$0xA800] =	vst v63  }
0x2b: {  	_ =	swait.ge [sflag:s12], $0x2800  }
0x2c: {  	[sflag:s12] =	ssyncset.done $0x0  }
0x2d: {  	s0 =	rddreg [dreg:$0x5];
	[sflag:s12] =	ssyncadd.s32 $0xFFFFD800  }
0x2e: {  	[hbm4b:s0+s2] =	stream.linear.scatter [tilespmem:s9], [sflag:$0x6], $0x2800, $0x38;
	[tilespmem:$0xA800] =	vst v63  }
0x2f: {  	_ =	swait.ge [sflag:s7], $0x2800  }
0x30: {  	[sflag:s7] =	ssyncset.done $0x0  }
0x31: {  	[sflag:s7] =	ssyncadd.s32 $0xFFFFD800  }
0x32: {  	[tilespmem:s9], [sflag:$0x2] =	stream.indirect.gather [hbm4b:s3+s17], $0x80, s25, s17, $0xb8;
	[tilespmem:$0xA800] =	vst v63  }
0x33: {  	_ =	swait.ge [sflag:s19], $0x2800  }
0x34: {  	[sflag:s19] =	ssyncset.done $0x0  }
0x35: {  	s0 =	rddreg [dreg:$0x6];
	[sflag:s19] =	ssyncadd.s32 $0xFFFFD800  }
0x36: {  	[hbm4b:s0+s2] =	stream.linear.scatter [tilespmem:s18], [sflag:$0x7], $0x2800, $0x38;
	[tilespmem:$0xA800] =	vst v63  }
0x37: {  	_ =	swait.ge [sflag:s13], $0x2800  }
0x38: {  	[sflag:s13] =	ssyncset.done $0x0  }
0x39: {  	[sflag:s13] =	ssyncadd.s32 $0xFFFFD800  }
0x3a: {  	[tilespmem:s18], [sflag:$0x3] =	stream.indirect.gather [hbm4b:s3+s17], $0x80, s24, s17, $0xb8;
	[tilespmem:$0xA800] =	vst v63  }
0x3b: {  	_ =	swait.ge [sflag:s20], $0x2800  }
0x3c: {  	[sflag:s20] =	ssyncset.done $0x0  }
0x3d: {  	s0 =	rddreg [dreg:$0x7];
	[sflag:s20] =	ssyncadd.s32 $0xFFFFD800  }
0x3e: {  	[hbm4b:s0+s2] =	stream.linear.scatter [tilespmem:s15], [sflag:$0x8], $0x2800, $0x38;
	[tilespmem:$0xA800] =	vst v63  }
0x3f: {  	_ =	swait.ge [sflag:s16], $0x2800  }
0x40: {  	[sflag:s16] =	ssyncset.done $0x0  }
0x41: {  	[sflag:s16] =	ssyncadd.s32 $0xFFFFD800  }
0x42: {  	[tilespmem:s15], [sflag:$0x4] =	stream.indirect.gather [hbm4b:s3+s17], $0x80, s23, s17, $0xb8;
	[tilespmem:$0xA800] =	vst v63  }
0x43: {  	_ =	swait.ge [sflag:s14], $0x2800  }
0x44: {  	[sflag:s14] =	ssyncset.done $0x0  }
0x45: {  	s0 =	rddreg [dreg:$0x8];
	[sflag:s14] =	ssyncadd.s32 $0xFFFFD800  }
0x46: {  	[hbm4b:s0+s2] =	stream.linear.scatter [tilespmem:s10], [sflag:$0x5], $0x2800, $0x38;
	[tilespmem:$0xA800] =	vst v63  }
0x47: {  	_ =	swait.ge [sflag:s6], $0x2800  }
0x48: {  	[sflag:s6] =	ssyncset.done $0x0  }
0x49: {  	[sflag:s6] =	ssyncadd.s32 $0xFFFFD800  }
0x4a: {  	[tilespmem:s10], [sflag:$0x1] =	stream.indirect.gather [hbm4b:s3+s17], $0x80, s22, s17, $0xb8;
	[tilespmem:$0xA800] =	vst v63  }
0x4b: {  	_ =	swait.ge [sflag:s12], $0x2800  }
0x4c: {  	[sflag:s12] =	ssyncset.done $0x0  }
0x4d: {  	s0 =	rddreg [dreg:$0x9];
	[sflag:s12] =	ssyncadd.s32 $0xFFFFD800  }
0x4e: {  	[hbm4b:s0+s2] =	stream.linear.scatter [tilespmem:s9], [sflag:$0x6], $0x2800, $0x38;
	[tilespmem:$0xA800] =	vst v63  }
0x4f: {  	_ =	swait.ge [sflag:s7], $0x2800  }
0x50: {  	[sflag:s7] =	ssyncset.done $0x0  }
0x51: {  	[sflag:s7] =	ssyncadd.s32 $0xFFFFD800  }
0x52: {  	[tilespmem:s9], [sflag:$0x2] =	stream.indirect.gather [hbm4b:s3+s17], $0x80, s21, s17, $0xb8;
	[tilespmem:$0xA800] =	vst v63  }
0x53: {  	_ =	swait.ge [sflag:s19], $0x2800  }
0x54: {  	[sflag:s19] =	ssyncset.done $0x0  }
0x55: {  	[sflag:s19] =	ssyncadd.s32 $0xFFFFD800  }
0x56: {  	[hbm4b:s11+s2] =	stream.linear.scatter [tilespmem:s18], [sflag:$0x7], $0x2800, $0x38;
	[tilespmem:$0xA800] =	vst v63  }
0x57: {  	_ =	swait.ge [sflag:s20], $0x2800  }
0x58: {  	[sflag:s20] =	ssyncset.done $0x0  }
0x59: {  	[sflag:s20] =	ssyncadd.s32 $0xFFFFD800  }
0x5a: {  	[hbm4b:s8+s2] =	stream.linear.scatter [tilespmem:s15], [sflag:$0x8], $0x2800, $0x38;
	[tilespmem:$0xA800] =	vst v63  }
0x5b: {  	_ =	swait.ge [sflag:s14], $0x2800  }
0x5c: {  	[sflag:s14] =	ssyncset.done $0x0  }
0x5d: {  	[sflag:s14] =	ssyncadd.s32 $0xFFFFD800  }
0x5e: {  	[hbm4b:s5+s2] =	stream.linear.scatter [tilespmem:s10], [sflag:$0x5], $0x2800, $0x38;
	[tilespmem:$0xA800] =	vst v63  }
0x5f: {  	_ =	swait.ge [sflag:s12], $0x2800  }
0x60: {  	[sflag:s12] =	ssyncset.done $0x0  }
0x61: {  	[sflag:s12] =	ssyncadd.s32 $0xFFFFD800  }
0x62: {  	[hbm4b:s4+s2] =	stream.linear.scatter [tilespmem:s9], [sflag:$0x6], $0x2800, $0x38;
	[tilespmem:$0xA800] =	vst v63  }
0x63: {  	_ =	swait.ge [sflag:s13], $0x2800  }
0x64: {  	[sflag:s13] =	ssyncset.done $0x0  }
0x65: {  	[sflag:s13] =	ssyncadd.s32 $0xFFFFD800  }
0x66: {  	_ =	swait.ge [sflag:s16], $0x2800  }
0x67: {  	[sflag:s16] =	ssyncset.done $0x0  }
0x68: {  	p1 =	sne.s32 s1, $0x1;
	[sflag:s16] =	ssyncadd.s32 $0xFFFFD800  }
.Ltmp1:
0x69: {  	_ =	swait.ge [sflag:s6], $0x2800;
	(pc) =	sbr.rel @!p1 .LBB2_3-.Ltmp1, $4  }
0x6a: {  	[sflag:s6] =	ssyncset.done $0x0  }
0x6b: {  	[sflag:s6] =	ssyncadd.s32 $0xFFFFD800  }
0x6c: {  	s1 =	sadd.s32 $0xFFFFFFFF, s1;
	_ =	swait.ge [sflag:s7], $0x2800  }
0x6d: {  	p0 =	por $0x1, $0x1;
	s0 =	rddreg [dreg:$0x3];
	[sflag:s7] =	ssyncset.done $0x0  }
.LBB2_2:
0x6e: {  	[sflag:s7] =	ssyncadd.s32 $0xFFFFD800  }
0x6f: {  	[tilespmem:s2], [sflag:$0x9] =	stream.linear.gather [hbm4b:s0+s2], $0x500, $0x38;
	[tilespmem:$0xA800] =	vst v63  }
0x70: {  	_ =	swait.ge [sflag:s28], $0x500  }
0x71: {  	[sflag:s28] =	ssyncset.done $0x0  }
0x72: {  	[sflag:s28] =	ssyncadd.s32 $0xFFFFFB00  }
0x73: {  	[tilespmem:s10], [sflag:$0x1] =	stream.indirect.gather [hbm4b:s3+s17], $0x80, s2, s17, $0xb8;
	[tilespmem:$0xA800] =	vst v63  }
0x74: {  	_ = 	snop  }
0x75: {  	[tilespmem:s9], [sflag:$0x2] =	stream.indirect.gather [hbm4b:s3+s17], $0x80, s29, s17, $0xb8;
	[tilespmem:$0xA800] =	vst v63  }
0x76: {  	_ = 	snop  }
0x77: {  	[tilespmem:s18], [sflag:$0x3] =	stream.indirect.gather [hbm4b:s3+s17], $0x80, s30, s17, $0xb8;
	[tilespmem:$0xA800] =	vst v63  }
0x78: {  	_ = 	snop  }
0x79: {  	[tilespmem:s15], [sflag:$0x4] =	stream.indirect.gather [hbm4b:s3+s17], $0x80, s31, s17, $0xb8;
	[tilespmem:$0xA800] =	vst v63  }
0x7a: {  	_ =	swait.ge [sflag:s14], $0x2800  }
0x7b: {  	[sflag:s14] =	ssyncset.done $0x0  }
0x7c: {  	s0 =	rddreg [dreg:$0x4];
	[sflag:s14] =	ssyncadd.s32 $0xFFFFD800  }
0x7d: {  	[hbm4b:s0+s2] =	stream.linear.scatter [tilespmem:s10], [sflag:$0x5], $0x2800, $0x38;
	[tilespmem:$0xA800] =	vst v63  }
0x7e: {  	_ =	swait.ge [sflag:s6], $0x2800  }
0x7f: {  	[sflag:s6] =	ssyncset.done $0x0  }
0x80: {  	[sflag:s6] =	ssyncadd.s32 $0xFFFFD800  }
0x81: {  	[tilespmem:s10], [sflag:$0x1] =	stream.indirect.gather [hbm4b:s3+s17], $0x80, s26, s17, $0xb8;
	[tilespmem:$0xA800] =	vst v63  }
0x82: {  	_ =	swait.ge [sflag:s12], $0x2800  }
0x83: {  	[sflag:s12] =	ssyncset.done $0x0  }
0x84: {  	s0 =	rddreg [dreg:$0x5];
	[sflag:s12] =	ssyncadd.s32 $0xFFFFD800  }
0x85: {  	[hbm4b:s0+s2] =	stream.linear.scatter [tilespmem:s9], [sflag:$0x6], $0x2800, $0x38;
	[tilespmem:$0xA800] =	vst v63  }
0x86: {  	_ =	swait.ge [sflag:s7], $0x2800  }
0x87: {  	[sflag:s7] =	ssyncset.done $0x0  }
0x88: {  	[sflag:s7] =	ssyncadd.s32 $0xFFFFD800  }
0x89: {  	[tilespmem:s9], [sflag:$0x2] =	stream.indirect.gather [hbm4b:s3+s17], $0x80, s25, s17, $0xb8;
	[tilespmem:$0xA800] =	vst v63  }
0x8a: {  	_ =	swait.ge [sflag:s19], $0x2800  }
0x8b: {  	[sflag:s19] =	ssyncset.done $0x0  }
0x8c: {  	s0 =	rddreg [dreg:$0x6];
	[sflag:s19] =	ssyncadd.s32 $0xFFFFD800  }
0x8d: {  	[hbm4b:s0+s2] =	stream.linear.scatter [tilespmem:s18], [sflag:$0x7], $0x2800, $0x38;
	[tilespmem:$0xA800] =	vst v63  }
0x8e: {  	_ =	swait.ge [sflag:s13], $0x2800  }
0x8f: {  	[sflag:s13] =	ssyncset.done $0x0  }
0x90: {  	[sflag:s13] =	ssyncadd.s32 $0xFFFFD800  }
0x91: {  	[tilespmem:s18], [sflag:$0x3] =	stream.indirect.gather [hbm4b:s3+s17], $0x80, s24, s17, $0xb8;
	[tilespmem:$0xA800] =	vst v63  }
0x92: {  	_ =	swait.ge [sflag:s20], $0x2800  }
0x93: {  	[sflag:s20] =	ssyncset.done $0x0  }
0x94: {  	s0 =	rddreg [dreg:$0x7];
	[sflag:s20] =	ssyncadd.s32 $0xFFFFD800  }
0x95: {  	[hbm4b:s0+s2] =	stream.linear.scatter [tilespmem:s15], [sflag:$0x8], $0x2800, $0x38;
	[tilespmem:$0xA800] =	vst v63  }
0x96: {  	_ =	swait.ge [sflag:s16], $0x2800  }
0x97: {  	[sflag:s16] =	ssyncset.done $0x0  }
0x98: {  	[sflag:s16] =	ssyncadd.s32 $0xFFFFD800  }
0x99: {  	[tilespmem:s15], [sflag:$0x4] =	stream.indirect.gather [hbm4b:s3+s17], $0x80, s23, s17, $0xb8;
	[tilespmem:$0xA800] =	vst v63  }
0x9a: {  	_ =	swait.ge [sflag:s14], $0x2800  }
0x9b: {  	[sflag:s14] =	ssyncset.done $0x0  }
0x9c: {  	s0 =	rddreg [dreg:$0x8];
	[sflag:s14] =	ssyncadd.s32 $0xFFFFD800  }
0x9d: {  	[hbm4b:s0+s2] =	stream.linear.scatter [tilespmem:s10], [sflag:$0x5], $0x2800, $0x38;
	[tilespmem:$0xA800] =	vst v63  }
0x9e: {  	_ =	swait.ge [sflag:s6], $0x2800  }
0x9f: {  	[sflag:s6] =	ssyncset.done $0x0  }
0xa0: {  	[sflag:s6] =	ssyncadd.s32 $0xFFFFD800  }
0xa1: {  	[tilespmem:s10], [sflag:$0x1] =	stream.indirect.gather [hbm4b:s3+s17], $0x80, s22, s17, $0xb8;
	[tilespmem:$0xA800] =	vst v63  }
0xa2: {  	_ =	swait.ge [sflag:s12], $0x2800  }
0xa3: {  	[sflag:s12] =	ssyncset.done $0x0  }
0xa4: {  	s0 =	rddreg [dreg:$0x9];
	[sflag:s12] =	ssyncadd.s32 $0xFFFFD800  }
0xa5: {  	[hbm4b:s0+s2] =	stream.linear.scatter [tilespmem:s9], [sflag:$0x6], $0x2800, $0x38;
	[tilespmem:$0xA800] =	vst v63  }
0xa6: {  	_ =	swait.ge [sflag:s7], $0x2800  }
0xa7: {  	[sflag:s7] =	ssyncset.done $0x0  }
0xa8: {  	[sflag:s7] =	ssyncadd.s32 $0xFFFFD800  }
0xa9: {  	[tilespmem:s9], [sflag:$0x2] =	stream.indirect.gather [hbm4b:s3+s17], $0x80, s21, s17, $0xb8;
	[tilespmem:$0xA800] =	vst v63  }
0xaa: {  	_ =	swait.ge [sflag:s19], $0x2800  }
0xab: {  	[sflag:s19] =	ssyncset.done $0x0  }
0xac: {  	[sflag:s19] =	ssyncadd.s32 $0xFFFFD800  }
0xad: {  	[hbm4b:s11+s2] =	stream.linear.scatter [tilespmem:s18], [sflag:$0x7], $0x2800, $0x38;
	[tilespmem:$0xA800] =	vst v63  }
0xae: {  	_ =	swait.ge [sflag:s20], $0x2800  }
0xaf: {  	[sflag:s20] =	ssyncset.done $0x0  }
0xb0: {  	[sflag:s20] =	ssyncadd.s32 $0xFFFFD800  }
0xb1: {  	[hbm4b:s8+s2] =	stream.linear.scatter [tilespmem:s15], [sflag:$0x8], $0x2800, $0x38;
	[tilespmem:$0xA800] =	vst v63  }
0xb2: {  	_ =	swait.ge [sflag:s14], $0x2800  }
0xb3: {  	[sflag:s14] =	ssyncset.done $0x0  }
0xb4: {  	[sflag:s14] =	ssyncadd.s32 $0xFFFFD800  }
0xb5: {  	[hbm4b:s5+s2] =	stream.linear.scatter [tilespmem:s10], [sflag:$0x5], $0x2800, $0x38;
	[tilespmem:$0xA800] =	vst v63  }
0xb6: {  	_ =	swait.ge [sflag:s12], $0x2800  }
0xb7: {  	[sflag:s12] =	ssyncset.done $0x0  }
0xb8: {  	[sflag:s12] =	ssyncadd.s32 $0xFFFFD800  }
0xb9: {  	[hbm4b:s4+s2] =	stream.linear.scatter [tilespmem:s9], [sflag:$0x6], $0x2800, $0x38;
	[tilespmem:$0xA800] =	vst v63  }
0xba: {  	_ =	swait.ge [sflag:s13], $0x2800  }
0xbb: {  	[sflag:s13] =	ssyncset.done $0x0  }
0xbc: {  	[sflag:s13] =	ssyncadd.s32 $0xFFFFD800  }
0xbd: {  	_ =	swait.ge [sflag:s16], $0x2800  }
0xbe: {  	[sflag:s16] =	ssyncset.done $0x0  }
0xbf: {  	p1 =	sne.s32 s1, $0x1;
	[sflag:s16] =	ssyncadd.s32 $0xFFFFD800  }
.Ltmp2:
0xc0: {  	_ =	swait.ge [sflag:s6], $0x2800;
	(pc) =	sbr.rel @p1 .LBB2_2-.Ltmp2, $4  }
0xc1: {  	[sflag:s6] =	ssyncset.done $0x0  }
0xc2: {  	[sflag:s6] =	ssyncadd.s32 $0xFFFFD800  }
0xc3: {  	_ =	swait.ge [sflag:s7], $0x2800  }
0xc4: {  	s1 =	sadd.s32 $0xFFFFFFFF, s1;
	s0 =	rddreg [dreg:$0x3];
	[sflag:s7] =	ssyncset.done $0x0  }
.LBB2_3:
0xc5: {  	[sflag:s7] =	ssyncadd.s32 @p0 $0xFFFFD800  }
0xc6: {  	[tilespmem:s2], [sflag:$0x9] =	stream.linear.gather [hbm4b:s0+s2], $0x500, $0x38;
	[tilespmem:$0xA800] =	vst v63  }
0xc7: {  	_ =	swait.ge [sflag:s28], $0x500  }
0xc8: {  	[sflag:s28] =	ssyncset.done $0x0  }
0xc9: {  	[sflag:s28] =	ssyncadd.s32 $0xFFFFFB00  }
0xca: {  	[tilespmem:s10], [sflag:$0x1] =	stream.indirect.gather [hbm4b:s3+s17], $0x80, s2, s17, $0xb8;
	[tilespmem:$0xA800] =	vst v63  }
0xcb: {  	_ = 	snop  }
0xcc: {  	[tilespmem:s9], [sflag:$0x2] =	stream.indirect.gather [hbm4b:s3+s17], $0x80, s29, s17, $0xb8;
	[tilespmem:$0xA800] =	vst v63  }
0xcd: {  	_ = 	snop  }
0xce: {  	[tilespmem:s18], [sflag:$0x3] =	stream.indirect.gather [hbm4b:s3+s17], $0x80, s30, s17, $0xb8;
	[tilespmem:$0xA800] =	vst v63  }
0xcf: {  	_ = 	snop  }
0xd0: {  	[tilespmem:s15], [sflag:$0x4] =	stream.indirect.gather [hbm4b:s3+s17], $0x80, s31, s17, $0xb8;
	[tilespmem:$0xA800] =	vst v63  }
0xd1: {  	_ =	swait.ge [sflag:s14], $0x2800  }
0xd2: {  	[sflag:s14] =	ssyncset.done $0x0  }
0xd3: {  	s31 =	rddreg [dreg:$0x4];
	[sflag:s14] =	ssyncadd.s32 $0xFFFFD800  }
0xd4: {  	[hbm4b:s31+s2] =	stream.linear.scatter [tilespmem:s10], [sflag:$0x5], $0x2800, $0x38;
	[tilespmem:$0xA800] =	vst v63  }
0xd5: {  	_ =	swait.ge [sflag:s6], $0x2800  }
0xd6: {  	[sflag:s6] =	ssyncset.done $0x0  }
0xd7: {  	[sflag:s6] =	ssyncadd.s32 $0xFFFFD800  }
0xd8: {  	[tilespmem:s10], [sflag:$0x1] =	stream.indirect.gather [hbm4b:s3+s17], $0x80, s26, s17, $0xb8;
	[tilespmem:$0xA800] =	vst v63  }
0xd9: {  	_ =	swait.ge [sflag:s12], $0x2800  }
0xda: {  	[sflag:s12] =	ssyncset.done $0x0  }
0xdb: {  	s1 =	rddreg [dreg:$0x5];
	[sflag:s12] =	ssyncadd.s32 $0xFFFFD800  }
0xdc: {  	[hbm4b:s1+s2] =	stream.linear.scatter [tilespmem:s9], [sflag:$0x6], $0x2800, $0x38;
	[tilespmem:$0xA800] =	vst v63  }
0xdd: {  	_ =	swait.ge [sflag:s7], $0x2800  }
0xde: {  	[sflag:s7] =	ssyncset.done $0x0  }
0xdf: {  	[sflag:s7] =	ssyncadd.s32 $0xFFFFD800  }
0xe0: {  	[tilespmem:s9], [sflag:$0x2] =	stream.indirect.gather [hbm4b:s3+s17], $0x80, s25, s17, $0xb8;
	[tilespmem:$0xA800] =	vst v63  }
0xe1: {  	_ =	swait.ge [sflag:s19], $0x2800  }
0xe2: {  	[sflag:s19] =	ssyncset.done $0x0  }
0xe3: {  	s26 =	rddreg [dreg:$0x6];
	[sflag:s19] =	ssyncadd.s32 $0xFFFFD800  }
0xe4: {  	[hbm4b:s26+s2] =	stream.linear.scatter [tilespmem:s18], [sflag:$0x7], $0x2800, $0x38;
	[tilespmem:$0xA800] =	vst v63  }
0xe5: {  	_ =	swait.ge [sflag:s13], $0x2800  }
0xe6: {  	[sflag:s13] =	ssyncset.done $0x0  }
0xe7: {  	[sflag:s13] =	ssyncadd.s32 $0xFFFFD800  }
0xe8: {  	[tilespmem:s18], [sflag:$0x3] =	stream.indirect.gather [hbm4b:s3+s17], $0x80, s24, s17, $0xb8;
	[tilespmem:$0xA800] =	vst v63  }
0xe9: {  	_ =	swait.ge [sflag:s20], $0x2800  }
0xea: {  	[sflag:s20] =	ssyncset.done $0x0  }
0xeb: {  	s28 =	rddreg [dreg:$0x7];
	[sflag:s20] =	ssyncadd.s32 $0xFFFFD800  }
0xec: {  	[hbm4b:s28+s2] =	stream.linear.scatter [tilespmem:s15], [sflag:$0x8], $0x2800, $0x38;
	[tilespmem:$0xA800] =	vst v63  }
0xed: {  	_ =	swait.ge [sflag:s16], $0x2800  }
0xee: {  	[sflag:s16] =	ssyncset.done $0x0  }
0xef: {  	[sflag:s16] =	ssyncadd.s32 $0xFFFFD800  }
0xf0: {  	[tilespmem:s15], [sflag:$0x4] =	stream.indirect.gather [hbm4b:s3+s17], $0x80, s23, s17, $0xb8;
	[tilespmem:$0xA800] =	vst v63  }
0xf1: {  	_ =	swait.ge [sflag:s14], $0x2800  }
0xf2: {  	[sflag:s14] =	ssyncset.done $0x0  }
0xf3: {  	s29 =	rddreg [dreg:$0x8];
	[sflag:s14] =	ssyncadd.s32 $0xFFFFD800  }
0xf4: {  	[hbm4b:s29+s2] =	stream.linear.scatter [tilespmem:s10], [sflag:$0x5], $0x2800, $0x38;
	[tilespmem:$0xA800] =	vst v63  }
0xf5: {  	_ =	swait.ge [sflag:s6], $0x2800  }
0xf6: {  	[sflag:s6] =	ssyncset.done $0x0  }
0xf7: {  	[sflag:s6] =	ssyncadd.s32 $0xFFFFD800  }
0xf8: {  	[tilespmem:s10], [sflag:$0x1] =	stream.indirect.gather [hbm4b:s3+s17], $0x80, s22, s17, $0xb8;
	[tilespmem:$0xA800] =	vst v63  }
0xf9: {  	_ =	swait.ge [sflag:s12], $0x2800  }
0xfa: {  	[sflag:s12] =	ssyncset.done $0x0  }
0xfb: {  	s30 =	rddreg [dreg:$0x9];
	[sflag:s12] =	ssyncadd.s32 $0xFFFFD800  }
0xfc: {  	[hbm4b:s30+s2] =	stream.linear.scatter [tilespmem:s9], [sflag:$0x6], $0x2800, $0x38;
	[tilespmem:$0xA800] =	vst v63  }
0xfd: {  	_ =	swait.ge [sflag:s7], $0x2800  }
0xfe: {  	[sflag:s7] =	ssyncset.done $0x0  }
0xff: {  	[sflag:s7] =	ssyncadd.s32 $0xFFFFD800  }
0x100: {  	[tilespmem:s9], [sflag:$0x2] =	stream.indirect.gather [hbm4b:s3+s17], $0x80, s21, s17, $0xb8;
	[tilespmem:$0xA800] =	vst v63  }
0x101: {  	_ =	swait.ge [sflag:s19], $0x2800  }
0x102: {  	[sflag:s19] =	ssyncset.done $0x0  }
0x103: {  	[sflag:s19] =	ssyncadd.s32 $0xFFFFD800  }
0x104: {  	[hbm4b:s11+s2] =	stream.linear.scatter [tilespmem:s18], [sflag:$0x7], $0x2800, $0x38;
	[tilespmem:$0xA800] =	vst v63  }
0x105: {  	_ =	swait.ge [sflag:s20], $0x2800  }
0x106: {  	[sflag:s20] =	ssyncset.done $0x0  }
0x107: {  	[sflag:s20] =	ssyncadd.s32 $0xFFFFD800  }
0x108: {  	[hbm4b:s8+s2] =	stream.linear.scatter [tilespmem:s15], [sflag:$0x8], $0x2800, $0x38;
	[tilespmem:$0xA800] =	vst v63  }
0x109: {  	_ =	swait.ge [sflag:s14], $0x2800  }
0x10a: {  	[sflag:s14] =	ssyncset.done $0x0  }
0x10b: {  	[sflag:s14] =	ssyncadd.s32 $0xFFFFD800  }
0x10c: {  	[hbm4b:s5+s2] =	stream.linear.scatter [tilespmem:s10], [sflag:$0x5], $0x2800, $0x38;
	[tilespmem:$0xA800] =	vst v63  }
0x10d: {  	_ =	swait.ge [sflag:s12], $0x2800  }
0x10e: {  	[sflag:s12] =	ssyncset.done $0x0  }
0x10f: {  	[sflag:s12] =	ssyncadd.s32 $0xFFFFD800  }
0x110: {  	[hbm4b:s4+s2] =	stream.linear.scatter [tilespmem:s9], [sflag:$0x6], $0x2800, $0x38;
	[tilespmem:$0xA800] =	vst v63  }
0x111: {  	_ =	swait.ge [sflag:s13], $0x2800  }
0x112: {  	[sflag:s13] =	ssyncset.done $0x0  }
0x113: {  	[sflag:s13] =	ssyncadd.s32 $0xFFFFD800  }
0x114: {  	_ =	swait.ge [sflag:s16], $0x2800  }
0x115: {  	[sflag:s16] =	ssyncset.done $0x0  }
0x116: {  	[sflag:s16] =	ssyncadd.s32 $0xFFFFD800  }
0x117: {  	_ =	swait.ge [sflag:s6], $0x2800  }
0x118: {  	[sflag:s6] =	ssyncset.done $0x0  }
0x119: {  	[sflag:s6] =	ssyncadd.s32 $0xFFFFD800  }
0x11a: {  	_ =	swait.ge [sflag:s7], $0x2800  }
0x11b: {  	[sflag:s7] =	ssyncset.done $0x0  }
0x11c: {  	[sflag:s7] =	ssyncadd.s32 $0xFFFFD800  }
0x11d: {  	_ =	sfence.sel $0x180000  }
0x11e: {  	[bflag:$0x0] =	sbarrier.arrive $0xFFFF  }
0x11f: {  	_ =	strace $0x9000004A  }
0x120: {  	s31 =	stileid.u32;
	[bflag:$0x2] =	sbarrier.arrive $0xFFFF  }
0x121: {  	p0 =	sne.s32 s31, $0x0;
	s0 =	rddreg [dreg:$0x2]  }
0x122: {  	s0 =	sadd.s32 @!p0 $0x100000, s0  }
0x123: {  	[sflag:s0] =	ssyncadd.tile.s32 @!p0 $0x1;
	_ =	shalt  }
.Lfunc_end2:
_tile_overlayer_lowered:
.L_overlay_start_2:
0x124: {  	(tag) =	ssettag $0x2  }
0x125: {  	s0 =	rddreg [dreg:$0x0];
	s2 =	stileid.u32  }
0x126: {  	s1 =	rddreg [dreg:$0x1];
	p0 =	sne.s32 s2, $0x0  }
0x127: {  	s3 =	rddreg [dreg:$0x2];
	[bflag:$0x3] =	sbarrier.arrive $0xFFFF;
	s2 =	simm.s32 @!p0 $0x1C09  }
0x128: {  	[timem:s3], [sflag:s2] =	dma.local @!p0 [hbm:s0], s1  }
0x129: {  	s0 =	simm.s32 @!p0 $0x9  }
0x12a: {  	_ =	swait.ge @!p0 [sflag:s0], s1  }
0x12b: {  	s1 =	ssub.s32 @!p0 $0x0, s1;
	[sflag:s0] =	ssyncset.done @!p0 $0x0  }
0x12c: {  	[sflag:s0] =	ssyncadd.s32 @!p0 s1  }
0x12d: {  	[bflag:$0x3] =	sbarrier.arrive $0xFFFF  }
0x12e: {  	_ =	shalt  }

</sc_bundles>
